<compile_context>
chip_gen: v7x
topology: tpu7x:2x2x1
jax: 0.10.2.dev20260603
libtpu: 0.0.44.dev20260713+nightly
codegen_flags: <defaults>
</compile_context>

<pallas_src>
import functools

import jax
import jax.numpy as jnp
from jax import lax
from jax.experimental import pallas as pl
from jax.experimental.pallas import tpu as pltpu
from jax.experimental.pallas import tpu_sc as plsc

_B = 16384
_L = 200
_LP = _L // 2
_V = 256
_VP = 384
_NC = 2
_NS = 16
_NW = _NC * _NS
_NH = 2
_BH = _B // _NH
_RPW = _BH // _NW
_NG = _RPW // 4


def _sc_hist(packed3):
  mesh = plsc.VectorSubcoreMesh(core_axis_name="c", subcore_axis_name="s")

  @functools.partial(
      pl.kernel,
      out_type=jax.ShapeDtypeStruct((_NW * _NG, _VP), jnp.int32),
      mesh=mesh,
      compiler_params=pltpu.CompilerParams(use_tc_tiling_on_sc=False,
                                           needs_layout_passes=False),
      scratch_types=[
          pltpu.VMEM((_LP, _RPW), jnp.int32),
          pltpu.VMEM((_NG, _VP), jnp.int32),
      ],
  )
  def k(pk_hbm, out_hbm, pk_v, hist):
    wid = lax.axis_index("s") * _NC + lax.axis_index("c")
    iota = lax.iota(jnp.int32, 16)
    zero16 = jnp.zeros((16,), jnp.int32)

    def zrow(q, carry):
      for j in range(_VP // 16):
        hist[q, pl.ds(j * 16, 16)] = zero16
      return carry

    lax.fori_loop(0, _NG, zrow, 0)

    pltpu.sync_copy(pk_hbm.at[wid], pk_v)

    ones = [jnp.full((16,), 1 << (8 * ki), jnp.int32) for ki in range(4)]

    def tok(t, carry):
      for ki in range(4):
        for g in range(_NG // 16):
          w = pk_v[t, pl.ds(ki * _NG + g * 16, 16)]
          id0 = w & 511
          id1 = w >> 9
          qv = iota + (g * 16)
          plsc.addupdate_scatter(hist, [qv, id0], ones[ki])
          plsc.addupdate_scatter(hist, [qv, id1], ones[ki])
      return carry

    lax.fori_loop(0, _LP, tok, 0)
    pltpu.sync_copy(hist, out_hbm.at[pl.ds(wid * _NG, _NG)])

  return k(packed3)


_HG = 8


def _tc_head(hp, emb_ext, w1, b1, w2, b2):
  hb = _NW * _NG // _HG

  def body(h_ref, emb_ref, w1_ref, b1_ref, w2_ref, b2_ref, out_ref):
    h = h_ref[...].reshape(hb // _NG, _NG, _VP)
    planes = [((h >> (8 * k)) & 255).astype(jnp.float32) for k in range(4)]
    counts = jnp.concatenate(planes, axis=1).reshape(4 * hb, _VP)
    sums = jnp.dot(counts, emb_ref[...],
                   preferred_element_type=jnp.float32)
    cnt = sums[:, 12:13]
    pooled = sums / jnp.maximum(cnt, 1.0)
    proj = jnp.maximum(
        jnp.dot(pooled, w1_ref[...],
                preferred_element_type=jnp.float32) + b1_ref[...], 0.0)
    o = jnp.dot(proj, w2_ref[...],
                preferred_element_type=jnp.float32) + b2_ref[...]
    out_ref[...] = o[:, :6]

  return pl.pallas_call(
      body,
      grid=(_HG,),
      in_specs=[
          pl.BlockSpec((hb, _VP), lambda b: (b, 0)),
          pl.BlockSpec((_VP, 128), lambda b: (0, 0)),
          pl.BlockSpec((128, 128), lambda b: (0, 0)),
          pl.BlockSpec((1, 128), lambda b: (0, 0)),
          pl.BlockSpec((128, 128), lambda b: (0, 0)),
          pl.BlockSpec((1, 128), lambda b: (0, 0)),
      ],
      out_specs=pl.BlockSpec((4 * hb, 6), lambda b: (b, 0)),
      out_shape=jax.ShapeDtypeStruct((_BH, 6), jnp.float32),
  )(hp, emb_ext, w1, b1, w2, b2)


def kernel(input_ids, attention_mask, token_type_ids, emb, W_proj, b_proj,
           W_head, b_head):
  del token_type_ids
  ids = input_ids.astype(jnp.int32)
  mask = attention_mask.astype(jnp.int32)
  emb_ext = jnp.zeros((_VP, 128), jnp.float32).at[:_V, :12].set(emb)
  emb_ext = emb_ext.at[:_V, 12].set(1.0)
  w1 = jnp.zeros((128, 128), jnp.float32).at[:12, :12].set(W_proj.T)
  b1 = jnp.zeros((1, 128), jnp.float32).at[0, :12].set(b_proj)
  w2 = jnp.zeros((128, 128), jnp.float32).at[:12, :6].set(W_head.T)
  b2 = jnp.zeros((1, 128), jnp.float32).at[0, :6].set(b_head)

  outs = []
  for h in range(_NH):
    idh = lax.slice_in_dim(ids, h * _BH, (h + 1) * _BH, axis=0)
    mkh = lax.slice_in_dim(mask, h * _BH, (h + 1) * _BH, axis=0)
    idm = jnp.where(mkh != 0, idh, _V)
    packed = idm[:, :_LP] | (idm[:, _LP:] << 9)
    packed3 = packed.reshape(_NW, _RPW, _LP).transpose(0, 2, 1)
    hp = _sc_hist(packed3)
    outs.append(_tc_head(hp, emb_ext, w1, b1, w2, b2))
  return jnp.concatenate(outs, axis=0)

# --- scband reference (transcript-rebuilt; emitter-appended) ---
"""Pipeline reference for scband-third-party-text-net-5033701671594 (READ-ONLY COPY).

The authoritative reference and input builder live on the scoring server;
editing this copy changes nothing except your own understanding.
"""

import jax, jax.numpy as jnp
import numpy as np

def setup_inputs(seed: int = 0) -> dict:
    key = jax.random.key(seed)
    k1, k2, k3, k4, k5, k6, k7 = jax.random.split(key, 7)
    B, L = 16384, 200
    input_ids = jax.random.randint(k1, (B, L), 0, 256, dtype=jnp.int64 if jax.config.jax_enable_x64 else jnp.int32)
    attention_mask = jax.random.randint(k2, (B, L), 0, 2, dtype=jnp.int64 if jax.config.jax_enable_x64 else jnp.int32)
    token_type_ids = jnp.zeros((B, L), dtype=jnp.int32)
    emb = jax.random.normal(k3, (256, 12), dtype=jnp.float32)
    W_proj = jax.random.normal(k4, (12, 12), dtype=jnp.float32) * (1.0 / np.sqrt(12.0))
    b_proj = jax.random.normal(k5, (12,), dtype=jnp.float32) * 0.01
    W_head = jax.random.normal(k6, (6, 12), dtype=jnp.float32) * (1.0 / np.sqrt(12.0))
    b_head = jax.random.normal(k7, (6,), dtype=jnp.float32) * 0.01
    return {"input_ids": input_ids, "attention_mask": attention_mask, "token_type_ids": token_type_ids,
            "emb": emb, "W_proj": W_proj, "b_proj": b_proj, "W_head": W_head, "b_head": b_head}

def reference(input_ids, attention_mask, token_type_ids, emb, W_proj, b_proj, W_head, b_head):
    del token_type_ids
    embeddings = jnp.take(emb, input_ids, axis=0)  # [B, L, 12] gather
    mask = attention_mask[..., None].astype(jnp.float32)  # [B, L, 1]
    pooled = (embeddings * mask).sum(axis=1) / jnp.maximum(mask.sum(axis=1), 1.0)  # [B, 12]
    projected = jax.nn.relu(pooled @ W_proj.T + b_proj)  # [B, 12]
    return projected @ W_head.T + b_head  # [B, 6]

if __name__ == "__main__":
    import jax
    _d = setup_inputs()
    print(jax.jit(kernel)(*tuple(_d.values())))

</pallas_src>

<mosaic_0001>
#map = affine_map<(d0, d1) -> (0, 0, 0)>
#map1 = affine_map<(d0, d1) -> (0, 0)>
module attributes {stable_mosaic.version = 14 : i64} {
  func.func @k(%arg0: i32, %arg1: i32, %arg2: memref<32x100x256xi32, #tpu.memory_space<hbm>>, %arg3: memref<2048x384xi32, #tpu.memory_space<hbm>>, %arg4: memref<100x256xi32, #tpu.memory_space<vmem>>, %arg5: memref<64x384xi32, #tpu.memory_space<vmem>>) attributes {dimension_semantics = [#tpu.dimension_semantics<core_parallel>, #tpu.dimension_semantics<subcore_parallel>], iteration_bounds = array<i64: 2, 16>, scalar_prefetch = 0 : i64, scratch_operands = 2 : i64, tpu.core_type = #tpu.core_type<sc_vector_subcore>, window_params = [{transform_indices = #map}, {transform_indices = #map1}]} {
    %mul3A = arith.constant 2 : i32
    %mul3A_0 = arith.muli %arg1, %mul3A : i32
    %add3A = arith.addi %mul3A_0, %arg0 : i32
    %iota3A = tpu.iota {dimensions = array<i32: 0>} : vector<16xi32>
    %broadcast_in_dim3A = arith.constant 0 : i32
    %broadcast_in_dim3A_1 = vector.broadcast %broadcast_in_dim3A : i32 to vector<16xi32>
    %scan3A = arith.constant 0 : i32
    %scan3A_2 = arith.constant 0 : i32
    %scan3A_3 = arith.constant 64 : i32
    %scan3A_4 = arith.addi %scan3A_2, %scan3A_3 : i32
    %scan3A_5 = arith.constant 1 : i32
    scf.for %scan3A_23 = %scan3A_2 to %scan3A_4 step %scan3A_5  : i32 {
      %swap3A = arith.index_cast %scan3A_23 : i32 to index
      %swap3A_24 = arith.constant 0 : index
      %swap3A_25 = tpu.vector_load %arg5[%swap3A, %swap3A_24] {strides = array<i32>} : memref<64x384xi32, #tpu.memory_space<vmem>>, vector<16xi32>,
      tpu.vector_store %arg5[%swap3A, %swap3A_24], %broadcast_in_dim3A_1 {strides = array<i32>} : memref<64x384xi32, #tpu.memory_space<vmem>>, vector<16xi32>,
      %swap3A_26 = arith.index_cast %scan3A_23 : i32 to index
      %swap3A_27 = arith.constant 16 : index
      %swap3A_28 = tpu.vector_load %arg5[%swap3A_26, %swap3A_27] {strides = array<i32>} : memref<64x384xi32, #tpu.memory_space<vmem>>, vector<16xi32>,
      tpu.vector_store %arg5[%swap3A_26, %swap3A_27], %broadcast_in_dim3A_1 {strides = array<i32>} : memref<64x384xi32, #tpu.memory_space<vmem>>, vector<16xi32>,
      %swap3A_29 = arith.index_cast %scan3A_23 : i32 to index
      %swap3A_30 = arith.constant 32 : index
      %swap3A_31 = tpu.vector_load %arg5[%swap3A_29, %swap3A_30] {strides = array<i32>} : memref<64x384xi32, #tpu.memory_space<vmem>>, vector<16xi32>,
      tpu.vector_store %arg5[%swap3A_29, %swap3A_30], %broadcast_in_dim3A_1 {strides = array<i32>} : memref<64x384xi32, #tpu.memory_space<vmem>>, vector<16xi32>,
      %swap3A_32 = arith.index_cast %scan3A_23 : i32 to index
      %swap3A_33 = arith.constant 48 : index
      %swap3A_34 = tpu.vector_load %arg5[%swap3A_32, %swap3A_33] {strides = array<i32>} : memref<64x384xi32, #tpu.memory_space<vmem>>, vector<16xi32>,
      tpu.vector_store %arg5[%swap3A_32, %swap3A_33], %broadcast_in_dim3A_1 {strides = array<i32>} : memref<64x384xi32, #tpu.memory_space<vmem>>, vector<16xi32>,
      %swap3A_35 = arith.index_cast %scan3A_23 : i32 to index
      %swap3A_36 = arith.constant 64 : index
      %swap3A_37 = tpu.vector_load %arg5[%swap3A_35, %swap3A_36] {strides = array<i32>} : memref<64x384xi32, #tpu.memory_space<vmem>>, vector<16xi32>,
      tpu.vector_store %arg5[%swap3A_35, %swap3A_36], %broadcast_in_dim3A_1 {strides = array<i32>} : memref<64x384xi32, #tpu.memory_space<vmem>>, vector<16xi32>,
      %swap3A_38 = arith.index_cast %scan3A_23 : i32 to index
      %swap3A_39 = arith.constant 80 : index
      %swap3A_40 = tpu.vector_load %arg5[%swap3A_38, %swap3A_39] {strides = array<i32>} : memref<64x384xi32, #tpu.memory_space<vmem>>, vector<16xi32>,
      tpu.vector_store %arg5[%swap3A_38, %swap3A_39], %broadcast_in_dim3A_1 {strides = array<i32>} : memref<64x384xi32, #tpu.memory_space<vmem>>, vector<16xi32>,
      %swap3A_41 = arith.index_cast %scan3A_23 : i32 to index
      %swap3A_42 = arith.constant 96 : index
      %swap3A_43 = tpu.vector_load %arg5[%swap3A_41, %swap3A_42] {strides = array<i32>} : memref<64x384xi32, #tpu.memory_space<vmem>>, vector<16xi32>,
      tpu.vector_store %arg5[%swap3A_41, %swap3A_42], %broadcast_in_dim3A_1 {strides = array<i32>} : memref<64x384xi32, #tpu.memory_space<vmem>>, vector<16xi32>,
      %swap3A_44 = arith.index_cast %scan3A_23 : i32 to index
      %swap3A_45 = arith.constant 112 : index
      %swap3A_46 = tpu.vector_load %arg5[%swap3A_44, %swap3A_45] {strides = array<i32>} : memref<64x384xi32, #tpu.memory_space<vmem>>, vector<16xi32>,
      tpu.vector_store %arg5[%swap3A_44, %swap3A_45], %broadcast_in_dim3A_1 {strides = array<i32>} : memref<64x384xi32, #tpu.memory_space<vmem>>, vector<16xi32>,
      %swap3A_47 = arith.index_cast %scan3A_23 : i32 to index
      %swap3A_48 = arith.constant 128 : index
      %swap3A_49 = tpu.vector_load %arg5[%swap3A_47, %swap3A_48] {strides = array<i32>} : memref<64x384xi32, #tpu.memory_space<vmem>>, vector<16xi32>,
      tpu.vector_store %arg5[%swap3A_47, %swap3A_48], %broadcast_in_dim3A_1 {strides = array<i32>} : memref<64x384xi32, #tpu.memory_space<vmem>>, vector<16xi32>,
      %swap3A_50 = arith.index_cast %scan3A_23 : i32 to index
      %swap3A_51 = arith.constant 144 : index
      %swap3A_52 = tpu.vector_load %arg5[%swap3A_50, %swap3A_51] {strides = array<i32>} : memref<64x384xi32, #tpu.memory_space<vmem>>, vector<16xi32>,
      tpu.vector_store %arg5[%swap3A_50, %swap3A_51], %broadcast_in_dim3A_1 {strides = array<i32>} : memref<64x384xi32, #tpu.memory_space<vmem>>, vector<16xi32>,
      %swap3A_53 = arith.index_cast %scan3A_23 : i32 to index
      %swap3A_54 = arith.constant 160 : index
      %swap3A_55 = tpu.vector_load %arg5[%swap3A_53, %swap3A_54] {strides = array<i32>} : memref<64x384xi32, #tpu.memory_space<vmem>>, vector<16xi32>,
      tpu.vector_store %arg5[%swap3A_53, %swap3A_54], %broadcast_in_dim3A_1 {strides = array<i32>} : memref<64x384xi32, #tpu.memory_space<vmem>>, vector<16xi32>,
      %swap3A_56 = arith.index_cast %scan3A_23 : i32 to index
      %swap3A_57 = arith.constant 176 : index
      %swap3A_58 = tpu.vector_load %arg5[%swap3A_56, %swap3A_57] {strides = array<i32>} : memref<64x384xi32, #tpu.memory_space<vmem>>, vector<16xi32>,
      tpu.vector_store %arg5[%swap3A_56, %swap3A_57], %broadcast_in_dim3A_1 {strides = array<i32>} : memref<64x384xi32, #tpu.memory_space<vmem>>, vector<16xi32>,
      %swap3A_59 = arith.index_cast %scan3A_23 : i32 to index
      %swap3A_60 = arith.constant 192 : index
      %swap3A_61 = tpu.vector_load %arg5[%swap3A_59, %swap3A_60] {strides = array<i32>} : memref<64x384xi32, #tpu.memory_space<vmem>>, vector<16xi32>,
      tpu.vector_store %arg5[%swap3A_59, %swap3A_60], %broadcast_in_dim3A_1 {strides = array<i32>} : memref<64x384xi32, #tpu.memory_space<vmem>>, vector<16xi32>,
      %swap3A_62 = arith.index_cast %scan3A_23 : i32 to index
      %swap3A_63 = arith.constant 208 : index
      %swap3A_64 = tpu.vector_load %arg5[%swap3A_62, %swap3A_63] {strides = array<i32>} : memref<64x384xi32, #tpu.memory_space<vmem>>, vector<16xi32>,
      tpu.vector_store %arg5[%swap3A_62, %swap3A_63], %broadcast_in_dim3A_1 {strides = array<i32>} : memref<64x384xi32, #tpu.memory_space<vmem>>, vector<16xi32>,
      %swap3A_65 = arith.index_cast %scan3A_23 : i32 to index
      %swap3A_66 = arith.constant 224 : index
      %swap3A_67 = tpu.vector_load %arg5[%swap3A_65, %swap3A_66] {strides = array<i32>} : memref<64x384xi32, #tpu.memory_space<vmem>>, vector<16xi32>,
      tpu.vector_store %arg5[%swap3A_65, %swap3A_66], %broadcast_in_dim3A_1 {strides = array<i32>} : memref<64x384xi32, #tpu.memory_space<vmem>>, vector<16xi32>,
      %swap3A_68 = arith.index_cast %scan3A_23 : i32 to index
      %swap3A_69 = arith.constant 240 : index
      %swap3A_70 = tpu.vector_load %arg5[%swap3A_68, %swap3A_69] {strides = array<i32>} : memref<64x384xi32, #tpu.memory_space<vmem>>, vector<16xi32>,
      tpu.vector_store %arg5[%swap3A_68, %swap3A_69], %broadcast_in_dim3A_1 {strides = array<i32>} : memref<64x384xi32, #tpu.memory_space<vmem>>, vector<16xi32>,
      %swap3A_71 = arith.index_cast %scan3A_23 : i32 to index
      %swap3A_72 = arith.constant 256 : index
      %swap3A_73 = tpu.vector_load %arg5[%swap3A_71, %swap3A_72] {strides = array<i32>} : memref<64x384xi32, #tpu.memory_space<vmem>>, vector<16xi32>,
      tpu.vector_store %arg5[%swap3A_71, %swap3A_72], %broadcast_in_dim3A_1 {strides = array<i32>} : memref<64x384xi32, #tpu.memory_space<vmem>>, vector<16xi32>,
      %swap3A_74 = arith.index_cast %scan3A_23 : i32 to index
      %swap3A_75 = arith.constant 272 : index
      %swap3A_76 = tpu.vector_load %arg5[%swap3A_74, %swap3A_75] {strides = array<i32>} : memref<64x384xi32, #tpu.memory_space<vmem>>, vector<16xi32>,
      tpu.vector_store %arg5[%swap3A_74, %swap3A_75], %broadcast_in_dim3A_1 {strides = array<i32>} : memref<64x384xi32, #tpu.memory_space<vmem>>, vector<16xi32>,
      %swap3A_77 = arith.index_cast %scan3A_23 : i32 to index
      %swap3A_78 = arith.constant 288 : index
      %swap3A_79 = tpu.vector_load %arg5[%swap3A_77, %swap3A_78] {strides = array<i32>} : memref<64x384xi32, #tpu.memory_space<vmem>>, vector<16xi32>,
      tpu.vector_store %arg5[%swap3A_77, %swap3A_78], %broadcast_in_dim3A_1 {strides = array<i32>} : memref<64x384xi32, #tpu.memory_space<vmem>>, vector<16xi32>,
      %swap3A_80 = arith.index_cast %scan3A_23 : i32 to index
      %swap3A_81 = arith.constant 304 : index
      %swap3A_82 = tpu.vector_load %arg5[%swap3A_80, %swap3A_81] {strides = array<i32>} : memref<64x384xi32, #tpu.memory_space<vmem>>, vector<16xi32>,
      tpu.vector_store %arg5[%swap3A_80, %swap3A_81], %broadcast_in_dim3A_1 {strides = array<i32>} : memref<64x384xi32, #tpu.memory_space<vmem>>, vector<16xi32>,
      %swap3A_83 = arith.index_cast %scan3A_23 : i32 to index
      %swap3A_84 = arith.constant 320 : index
      %swap3A_85 = tpu.vector_load %arg5[%swap3A_83, %swap3A_84] {strides = array<i32>} : memref<64x384xi32, #tpu.memory_space<vmem>>, vector<16xi32>,
      tpu.vector_store %arg5[%swap3A_83, %swap3A_84], %broadcast_in_dim3A_1 {strides = array<i32>} : memref<64x384xi32, #tpu.memory_space<vmem>>, vector<16xi32>,
      %swap3A_86 = arith.index_cast %scan3A_23 : i32 to index
      %swap3A_87 = arith.constant 336 : index
      %swap3A_88 = tpu.vector_load %arg5[%swap3A_86, %swap3A_87] {strides = array<i32>} : memref<64x384xi32, #tpu.memory_space<vmem>>, vector<16xi32>,
      tpu.vector_store %arg5[%swap3A_86, %swap3A_87], %broadcast_in_dim3A_1 {strides = array<i32>} : memref<64x384xi32, #tpu.memory_space<vmem>>, vector<16xi32>,
      %swap3A_89 = arith.index_cast %scan3A_23 : i32 to index
      %swap3A_90 = arith.constant 352 : index
      %swap3A_91 = tpu.vector_load %arg5[%swap3A_89, %swap3A_90] {strides = array<i32>} : memref<64x384xi32, #tpu.memory_space<vmem>>, vector<16xi32>,
      tpu.vector_store %arg5[%swap3A_89, %swap3A_90], %broadcast_in_dim3A_1 {strides = array<i32>} : memref<64x384xi32, #tpu.memory_space<vmem>>, vector<16xi32>,
      %swap3A_92 = arith.index_cast %scan3A_23 : i32 to index
      %swap3A_93 = arith.constant 368 : index
      %swap3A_94 = tpu.vector_load %arg5[%swap3A_92, %swap3A_93] {strides = array<i32>} : memref<64x384xi32, #tpu.memory_space<vmem>>, vector<16xi32>,
      tpu.vector_store %arg5[%swap3A_92, %swap3A_93], %broadcast_in_dim3A_1 {strides = array<i32>} : memref<64x384xi32, #tpu.memory_space<vmem>>, vector<16xi32>,
    }
    %scan3A_6 = arith.constant 64 : i32
    "tpu.region"() ({
      %run_scoped3A = tpu.sem_alloc : memref<!tpu.dma_semaphore, #tpu.memory_space<semaphore_mem>>
      %dma_start3A = arith.constant 0 : i32
      %dma_start3A_23 = arith.constant 0 : i32
      %dma_start3A_24 = tpu.memref_slice %arg2[%add3A, %dma_start3A, %dma_start3A_23] : memref<32x100x256xi32, #tpu.memory_space<hbm>> -> memref<1x100x256xi32, #tpu.memory_space<hbm>>
      %dma_start3A_25 = tpu.memref_squeeze %dma_start3A_24 : memref<1x100x256xi32, #tpu.memory_space<hbm>> -> memref<100x256xi32, #tpu.memory_space<hbm>>
      %dma_start3A_26 = arith.constant 0 : i32
      %dma_start3A_27 = arith.constant 0 : i32
      %dma_start3A_28 = tpu.memref_slice %arg2[%add3A, %dma_start3A_26, %dma_start3A_27] : memref<32x100x256xi32, #tpu.memory_space<hbm>> -> memref<1x100x256xi32, #tpu.memory_space<hbm>>
      %dma_start3A_29 = tpu.memref_squeeze %dma_start3A_28 : memref<1x100x256xi32, #tpu.memory_space<hbm>> -> memref<100x256xi32, #tpu.memory_space<hbm>>
      tpu.enqueue_dma source(%dma_start3A_29 : memref<100x256xi32, #tpu.memory_space<hbm>>) target(%arg4 : memref<100x256xi32, #tpu.memory_space<vmem>>) target_semaphore(%run_scoped3A : memref<!tpu.dma_semaphore, #tpu.memory_space<semaphore_mem>>)
      %dma_wait3A = arith.constant 0 : i32
      %dma_wait3A_30 = arith.constant 0 : i32
      %dma_wait3A_31 = tpu.memref_slice %arg2[%add3A, %dma_wait3A, %dma_wait3A_30] : memref<32x100x256xi32, #tpu.memory_space<hbm>> -> memref<1x100x256xi32, #tpu.memory_space<hbm>>
      %dma_wait3A_32 = tpu.memref_squeeze %dma_wait3A_31 : memref<1x100x256xi32, #tpu.memory_space<hbm>> -> memref<100x256xi32, #tpu.memory_space<hbm>>
      %dma_wait3A_33 = arith.constant 0 : i32
      %dma_wait3A_34 = arith.constant 0 : i32
      %dma_wait3A_35 = tpu.memref_slice %arg2[%add3A, %dma_wait3A_33, %dma_wait3A_34] : memref<32x100x256xi32, #tpu.memory_space<hbm>> -> memref<1x100x256xi32, #tpu.memory_space<hbm>>
      %dma_wait3A_36 = tpu.memref_squeeze %dma_wait3A_35 : memref<1x100x256xi32, #tpu.memory_space<hbm>> -> memref<100x256xi32, #tpu.memory_space<hbm>>
      tpu.wait_dma2 semaphore(%run_scoped3A : memref<!tpu.dma_semaphore, #tpu.memory_space<semaphore_mem>>) src(%dma_wait3A_36 : memref<100x256xi32, #tpu.memory_space<hbm>>) dst(%arg4 : memref<100x256xi32, #tpu.memory_space<vmem>>)
      tpu.yield
    }) : () -> ()
    %broadcast_in_dim3A_7 = arith.constant 1 : i32
    %broadcast_in_dim3A_8 = vector.broadcast %broadcast_in_dim3A_7 : i32 to vector<16xi32>
    %broadcast_in_dim3A_9 = arith.constant 256 : i32
    %broadcast_in_dim3A_10 = vector.broadcast %broadcast_in_dim3A_9 : i32 to vector<16xi32>
    %broadcast_in_dim3A_11 = arith.constant 65536 : i32
    %broadcast_in_dim3A_12 = vector.broadcast %broadcast_in_dim3A_11 : i32 to vector<16xi32>
    %broadcast_in_dim3A_13 = arith.constant 16777216 : i32
    %broadcast_in_dim3A_14 = vector.broadcast %broadcast_in_dim3A_13 : i32 to vector<16xi32>
    %scan3A_15 = arith.constant 0 : i32
    %scan3A_16 = arith.constant 0 : i32
    %scan3A_17 = arith.constant 100 : i32
    %scan3A_18 = arith.addi %scan3A_16, %scan3A_17 : i32
    %scan3A_19 = arith.constant 1 : i32
    scf.for %scan3A_23 = %scan3A_16 to %scan3A_18 step %scan3A_19  : i32 {
      %get3A = arith.index_cast %scan3A_23 : i32 to index
      %get3A_24 = arith.constant 0 : index
      %get3A_25 = tpu.vector_load %arg4[%get3A, %get3A_24] {strides = array<i32>} : memref<100x256xi32, #tpu.memory_space<vmem>>, vector<16xi32>,
      %and3A = arith.constant 511 : i32
      %and3A_26 = vector.broadcast %and3A : i32 to vector<16xi32>
      %and3A_27 = arith.andi %get3A_25, %and3A_26 : vector<16xi32>
      %shift_right_arithmetic3A = arith.constant 9 : i32
      %shift_right_arithmetic3A_28 = vector.broadcast %shift_right_arithmetic3A : i32 to vector<16xi32>
      %shift_right_arithmetic3A_29 = arith.shrsi %get3A_25, %shift_right_arithmetic3A_28 : vector<16xi32>
      %add3A_30 = arith.constant 0 : i32
      %add3A_31 = vector.broadcast %add3A_30 : i32 to vector<16xi32>
      %add3A_32 = arith.addi %iota3A, %add3A_31 : vector<16xi32>
      tpu.vector_store_idx %arg5[%add3A_32, %and3A_27], %broadcast_in_dim3A_8 {add = true} : memref<64x384xi32, #tpu.memory_space<vmem>>[vector<16xi32>, vector<16xi32>], vector<16xi32>,
      tpu.vector_store_idx %arg5[%add3A_32, %shift_right_arithmetic3A_29], %broadcast_in_dim3A_8 {add = true} : memref<64x384xi32, #tpu.memory_space<vmem>>[vector<16xi32>, vector<16xi32>], vector<16xi32>,
      %get3A_33 = arith.index_cast %scan3A_23 : i32 to index
      %get3A_34 = arith.constant 16 : index
      %get3A_35 = tpu.vector_load %arg4[%get3A_33, %get3A_34] {strides = array<i32>} : memref<100x256xi32, #tpu.memory_space<vmem>>, vector<16xi32>,
      %and3A_36 = arith.constant 511 : i32
      %and3A_37 = vector.broadcast %and3A_36 : i32 to vector<16xi32>
      %and3A_38 = arith.andi %get3A_35, %and3A_37 : vector<16xi32>
      %shift_right_arithmetic3A_39 = arith.constant 9 : i32
      %shift_right_arithmetic3A_40 = vector.broadcast %shift_right_arithmetic3A_39 : i32 to vector<16xi32>
      %shift_right_arithmetic3A_41 = arith.shrsi %get3A_35, %shift_right_arithmetic3A_40 : vector<16xi32>
      %add3A_42 = arith.constant 16 : i32
      %add3A_43 = vector.broadcast %add3A_42 : i32 to vector<16xi32>
      %add3A_44 = arith.addi %iota3A, %add3A_43 : vector<16xi32>
      tpu.vector_store_idx %arg5[%add3A_44, %and3A_38], %broadcast_in_dim3A_8 {add = true} : memref<64x384xi32, #tpu.memory_space<vmem>>[vector<16xi32>, vector<16xi32>], vector<16xi32>,
      tpu.vector_store_idx %arg5[%add3A_44, %shift_right_arithmetic3A_41], %broadcast_in_dim3A_8 {add = true} : memref<64x384xi32, #tpu.memory_space<vmem>>[vector<16xi32>, vector<16xi32>], vector<16xi32>,
      %get3A_45 = arith.index_cast %scan3A_23 : i32 to index
      %get3A_46 = arith.constant 32 : index
      %get3A_47 = tpu.vector_load %arg4[%get3A_45, %get3A_46] {strides = array<i32>} : memref<100x256xi32, #tpu.memory_space<vmem>>, vector<16xi32>,
      %and3A_48 = arith.constant 511 : i32
      %and3A_49 = vector.broadcast %and3A_48 : i32 to vector<16xi32>
      %and3A_50 = arith.andi %get3A_47, %and3A_49 : vector<16xi32>
      %shift_right_arithmetic3A_51 = arith.constant 9 : i32
      %shift_right_arithmetic3A_52 = vector.broadcast %shift_right_arithmetic3A_51 : i32 to vector<16xi32>
      %shift_right_arithmetic3A_53 = arith.shrsi %get3A_47, %shift_right_arithmetic3A_52 : vector<16xi32>
      %add3A_54 = arith.constant 32 : i32
      %add3A_55 = vector.broadcast %add3A_54 : i32 to vector<16xi32>
      %add3A_56 = arith.addi %iota3A, %add3A_55 : vector<16xi32>
      tpu.vector_store_idx %arg5[%add3A_56, %and3A_50], %broadcast_in_dim3A_8 {add = true} : memref<64x384xi32, #tpu.memory_space<vmem>>[vector<16xi32>, vector<16xi32>], vector<16xi32>,
      tpu.vector_store_idx %arg5[%add3A_56, %shift_right_arithmetic3A_53], %broadcast_in_dim3A_8 {add = true} : memref<64x384xi32, #tpu.memory_space<vmem>>[vector<16xi32>, vector<16xi32>], vector<16xi32>,
      %get3A_57 = arith.index_cast %scan3A_23 : i32 to index
      %get3A_58 = arith.constant 48 : index
      %get3A_59 = tpu.vector_load %arg4[%get3A_57, %get3A_58] {strides = array<i32>} : memref<100x256xi32, #tpu.memory_space<vmem>>, vector<16xi32>,
      %and3A_60 = arith.constant 511 : i32
      %and3A_61 = vector.broadcast %and3A_60 : i32 to vector<16xi32>
      %and3A_62 = arith.andi %get3A_59, %and3A_61 : vector<16xi32>
      %shift_right_arithmetic3A_63 = arith.constant 9 : i32
      %shift_right_arithmetic3A_64 = vector.broadcast %shift_right_arithmetic3A_63 : i32 to vector<16xi32>
      %shift_right_arithmetic3A_65 = arith.shrsi %get3A_59, %shift_right_arithmetic3A_64 : vector<16xi32>
      %add3A_66 = arith.constant 48 : i32
      %add3A_67 = vector.broadcast %add3A_66 : i32 to vector<16xi32>
      %add3A_68 = arith.addi %iota3A, %add3A_67 : vector<16xi32>
      tpu.vector_store_idx %arg5[%add3A_68, %and3A_62], %broadcast_in_dim3A_8 {add = true} : memref<64x384xi32, #tpu.memory_space<vmem>>[vector<16xi32>, vector<16xi32>], vector<16xi32>,
      tpu.vector_store_idx %arg5[%add3A_68, %shift_right_arithmetic3A_65], %broadcast_in_dim3A_8 {add = true} : memref<64x384xi32, #tpu.memory_space<vmem>>[vector<16xi32>, vector<16xi32>], vector<16xi32>,
      %get3A_69 = arith.index_cast %scan3A_23 : i32 to index
      %get3A_70 = arith.constant 64 : index
      %get3A_71 = tpu.vector_load %arg4[%get3A_69, %get3A_70] {strides = array<i32>} : memref<100x256xi32, #tpu.memory_space<vmem>>, vector<16xi32>,
      %and3A_72 = arith.constant 511 : i32
      %and3A_73 = vector.broadcast %and3A_72 : i32 to vector<16xi32>
      %and3A_74 = arith.andi %get3A_71, %and3A_73 : vector<16xi32>
      %shift_right_arithmetic3A_75 = arith.constant 9 : i32
      %shift_right_arithmetic3A_76 = vector.broadcast %shift_right_arithmetic3A_75 : i32 to vector<16xi32>
      %shift_right_arithmetic3A_77 = arith.shrsi %get3A_71, %shift_right_arithmetic3A_76 : vector<16xi32>
      %add3A_78 = arith.constant 0 : i32
      %add3A_79 = vector.broadcast %add3A_78 : i32 to vector<16xi32>
      %add3A_80 = arith.addi %iota3A, %add3A_79 : vector<16xi32>
      tpu.vector_store_idx %arg5[%add3A_80, %and3A_74], %broadcast_in_dim3A_10 {add = true} : memref<64x384xi32, #tpu.memory_space<vmem>>[vector<16xi32>, vector<16xi32>], vector<16xi32>,
      tpu.vector_store_idx %arg5[%add3A_80, %shift_right_arithmetic3A_77], %broadcast_in_dim3A_10 {add = true} : memref<64x384xi32, #tpu.memory_space<vmem>>[vector<16xi32>, vector<16xi32>], vector<16xi32>,
      %get3A_81 = arith.index_cast %scan3A_23 : i32 to index
      %get3A_82 = arith.constant 80 : index
      %get3A_83 = tpu.vector_load %arg4[%get3A_81, %get3A_82] {strides = array<i32>} : memref<100x256xi32, #tpu.memory_space<vmem>>, vector<16xi32>,
      %and3A_84 = arith.constant 511 : i32
      %and3A_85 = vector.broadcast %and3A_84 : i32 to vector<16xi32>
      %and3A_86 = arith.andi %get3A_83, %and3A_85 : vector<16xi32>
      %shift_right_arithmetic3A_87 = arith.constant 9 : i32
      %shift_right_arithmetic3A_88 = vector.broadcast %shift_right_arithmetic3A_87 : i32 to vector<16xi32>
      %shift_right_arithmetic3A_89 = arith.shrsi %get3A_83, %shift_right_arithmetic3A_88 : vector<16xi32>
      %add3A_90 = arith.constant 16 : i32
      %add3A_91 = vector.broadcast %add3A_90 : i32 to vector<16xi32>
      %add3A_92 = arith.addi %iota3A, %add3A_91 : vector<16xi32>
      tpu.vector_store_idx %arg5[%add3A_92, %and3A_86], %broadcast_in_dim3A_10 {add = true} : memref<64x384xi32, #tpu.memory_space<vmem>>[vector<16xi32>, vector<16xi32>], vector<16xi32>,
      tpu.vector_store_idx %arg5[%add3A_92, %shift_right_arithmetic3A_89], %broadcast_in_dim3A_10 {add = true} : memref<64x384xi32, #tpu.memory_space<vmem>>[vector<16xi32>, vector<16xi32>], vector<16xi32>,
      %get3A_93 = arith.index_cast %scan3A_23 : i32 to index
      %get3A_94 = arith.constant 96 : index
      %get3A_95 = tpu.vector_load %arg4[%get3A_93, %get3A_94] {strides = array<i32>} : memref<100x256xi32, #tpu.memory_space<vmem>>, vector<16xi32>,
      %and3A_96 = arith.constant 511 : i32
      %and3A_97 = vector.broadcast %and3A_96 : i32 to vector<16xi32>
      %and3A_98 = arith.andi %get3A_95, %and3A_97 : vector<16xi32>
      %shift_right_arithmetic3A_99 = arith.constant 9 : i32
      %shift_right_arithmetic3A_100 = vector.broadcast %shift_right_arithmetic3A_99 : i32 to vector<16xi32>
      %shift_right_arithmetic3A_101 = arith.shrsi %get3A_95, %shift_right_arithmetic3A_100 : vector<16xi32>
      %add3A_102 = arith.constant 32 : i32
      %add3A_103 = vector.broadcast %add3A_102 : i32 to vector<16xi32>
      %add3A_104 = arith.addi %iota3A, %add3A_103 : vector<16xi32>
      tpu.vector_store_idx %arg5[%add3A_104, %and3A_98], %broadcast_in_dim3A_10 {add = true} : memref<64x384xi32, #tpu.memory_space<vmem>>[vector<16xi32>, vector<16xi32>], vector<16xi32>,
      tpu.vector_store_idx %arg5[%add3A_104, %shift_right_arithmetic3A_101], %broadcast_in_dim3A_10 {add = true} : memref<64x384xi32, #tpu.memory_space<vmem>>[vector<16xi32>, vector<16xi32>], vector<16xi32>,
      %get3A_105 = arith.index_cast %scan3A_23 : i32 to index
      %get3A_106 = arith.constant 112 : index
      %get3A_107 = tpu.vector_load %arg4[%get3A_105, %get3A_106] {strides = array<i32>} : memref<100x256xi32, #tpu.memory_space<vmem>>, vector<16xi32>,
      %and3A_108 = arith.constant 511 : i32
      %and3A_109 = vector.broadcast %and3A_108 : i32 to vector<16xi32>
      %and3A_110 = arith.andi %get3A_107, %and3A_109 : vector<16xi32>
      %shift_right_arithmetic3A_111 = arith.constant 9 : i32
      %shift_right_arithmetic3A_112 = vector.broadcast %shift_right_arithmetic3A_111 : i32 to vector<16xi32>
      %shift_right_arithmetic3A_113 = arith.shrsi %get3A_107, %shift_right_arithmetic3A_112 : vector<16xi32>
      %add3A_114 = arith.constant 48 : i32
      %add3A_115 = vector.broadcast %add3A_114 : i32 to vector<16xi32>
      %add3A_116 = arith.addi %iota3A, %add3A_115 : vector<16xi32>
      tpu.vector_store_idx %arg5[%add3A_116, %and3A_110], %broadcast_in_dim3A_10 {add = true} : memref<64x384xi32, #tpu.memory_space<vmem>>[vector<16xi32>, vector<16xi32>], vector<16xi32>,
      tpu.vector_store_idx %arg5[%add3A_116, %shift_right_arithmetic3A_113], %broadcast_in_dim3A_10 {add = true} : memref<64x384xi32, #tpu.memory_space<vmem>>[vector<16xi32>, vector<16xi32>], vector<16xi32>,
      %get3A_117 = arith.index_cast %scan3A_23 : i32 to index
      %get3A_118 = arith.constant 128 : index
      %get3A_119 = tpu.vector_load %arg4[%get3A_117, %get3A_118] {strides = array<i32>} : memref<100x256xi32, #tpu.memory_space<vmem>>, vector<16xi32>,
      %and3A_120 = arith.constant 511 : i32
      %and3A_121 = vector.broadcast %and3A_120 : i32 to vector<16xi32>
      %and3A_122 = arith.andi %get3A_119, %and3A_121 : vector<16xi32>
      %shift_right_arithmetic3A_123 = arith.constant 9 : i32
      %shift_right_arithmetic3A_124 = vector.broadcast %shift_right_arithmetic3A_123 : i32 to vector<16xi32>
      %shift_right_arithmetic3A_125 = arith.shrsi %get3A_119, %shift_right_arithmetic3A_124 : vector<16xi32>
      %add3A_126 = arith.constant 0 : i32
      %add3A_127 = vector.broadcast %add3A_126 : i32 to vector<16xi32>
      %add3A_128 = arith.addi %iota3A, %add3A_127 : vector<16xi32>
      tpu.vector_store_idx %arg5[%add3A_128, %and3A_122], %broadcast_in_dim3A_12 {add = true} : memref<64x384xi32, #tpu.memory_space<vmem>>[vector<16xi32>, vector<16xi32>], vector<16xi32>,
      tpu.vector_store_idx %arg5[%add3A_128, %shift_right_arithmetic3A_125], %broadcast_in_dim3A_12 {add = true} : memref<64x384xi32, #tpu.memory_space<vmem>>[vector<16xi32>, vector<16xi32>], vector<16xi32>,
      %get3A_129 = arith.index_cast %scan3A_23 : i32 to index
      %get3A_130 = arith.constant 144 : index
      %get3A_131 = tpu.vector_load %arg4[%get3A_129, %get3A_130] {strides = array<i32>} : memref<100x256xi32, #tpu.memory_space<vmem>>, vector<16xi32>,
      %and3A_132 = arith.constant 511 : i32
      %and3A_133 = vector.broadcast %and3A_132 : i32 to vector<16xi32>
      %and3A_134 = arith.andi %get3A_131, %and3A_133 : vector<16xi32>
      %shift_right_arithmetic3A_135 = arith.constant 9 : i32
      %shift_right_arithmetic3A_136 = vector.broadcast %shift_right_arithmetic3A_135 : i32 to vector<16xi32>
      %shift_right_arithmetic3A_137 = arith.shrsi %get3A_131, %shift_right_arithmetic3A_136 : vector<16xi32>
      %add3A_138 = arith.constant 16 : i32
      %add3A_139 = vector.broadcast %add3A_138 : i32 to vector<16xi32>
      %add3A_140 = arith.addi %iota3A, %add3A_139 : vector<16xi32>
      tpu.vector_store_idx %arg5[%add3A_140, %and3A_134], %broadcast_in_dim3A_12 {add = true} : memref<64x384xi32, #tpu.memory_space<vmem>>[vector<16xi32>, vector<16xi32>], vector<16xi32>,
      tpu.vector_store_idx %arg5[%add3A_140, %shift_right_arithmetic3A_137], %broadcast_in_dim3A_12 {add = true} : memref<64x384xi32, #tpu.memory_space<vmem>>[vector<16xi32>, vector<16xi32>], vector<16xi32>,
      %get3A_141 = arith.index_cast %scan3A_23 : i32 to index
      %get3A_142 = arith.constant 160 : index
      %get3A_143 = tpu.vector_load %arg4[%get3A_141, %get3A_142] {strides = array<i32>} : memref<100x256xi32, #tpu.memory_space<vmem>>, vector<16xi32>,
      %and3A_144 = arith.constant 511 : i32
      %and3A_145 = vector.broadcast %and3A_144 : i32 to vector<16xi32>
      %and3A_146 = arith.andi %get3A_143, %and3A_145 : vector<16xi32>
      %shift_right_arithmetic3A_147 = arith.constant 9 : i32
      %shift_right_arithmetic3A_148 = vector.broadcast %shift_right_arithmetic3A_147 : i32 to vector<16xi32>
      %shift_right_arithmetic3A_149 = arith.shrsi %get3A_143, %shift_right_arithmetic3A_148 : vector<16xi32>
      %add3A_150 = arith.constant 32 : i32
      %add3A_151 = vector.broadcast %add3A_150 : i32 to vector<16xi32>
      %add3A_152 = arith.addi %iota3A, %add3A_151 : vector<16xi32>
      tpu.vector_store_idx %arg5[%add3A_152, %and3A_146], %broadcast_in_dim3A_12 {add = true} : memref<64x384xi32, #tpu.memory_space<vmem>>[vector<16xi32>, vector<16xi32>], vector<16xi32>,
      tpu.vector_store_idx %arg5[%add3A_152, %shift_right_arithmetic3A_149], %broadcast_in_dim3A_12 {add = true} : memref<64x384xi32, #tpu.memory_space<vmem>>[vector<16xi32>, vector<16xi32>], vector<16xi32>,
      %get3A_153 = arith.index_cast %scan3A_23 : i32 to index
      %get3A_154 = arith.constant 176 : index
      %get3A_155 = tpu.vector_load %arg4[%get3A_153, %get3A_154] {strides = array<i32>} : memref<100x256xi32, #tpu.memory_space<vmem>>, vector<16xi32>,
      %and3A_156 = arith.constant 511 : i32
      %and3A_157 = vector.broadcast %and3A_156 : i32 to vector<16xi32>
      %and3A_158 = arith.andi %get3A_155, %and3A_157 : vector<16xi32>
      %shift_right_arithmetic3A_159 = arith.constant 9 : i32
      %shift_right_arithmetic3A_160 = vector.broadcast %shift_right_arithmetic3A_159 : i32 to vector<16xi32>
      %shift_right_arithmetic3A_161 = arith.shrsi %get3A_155, %shift_right_arithmetic3A_160 : vector<16xi32>
      %add3A_162 = arith.constant 48 : i32
      %add3A_163 = vector.broadcast %add3A_162 : i32 to vector<16xi32>
      %add3A_164 = arith.addi %iota3A, %add3A_163 : vector<16xi32>
      tpu.vector_store_idx %arg5[%add3A_164, %and3A_158], %broadcast_in_dim3A_12 {add = true} : memref<64x384xi32, #tpu.memory_space<vmem>>[vector<16xi32>, vector<16xi32>], vector<16xi32>,
      tpu.vector_store_idx %arg5[%add3A_164, %shift_right_arithmetic3A_161], %broadcast_in_dim3A_12 {add = true} : memref<64x384xi32, #tpu.memory_space<vmem>>[vector<16xi32>, vector<16xi32>], vector<16xi32>,
      %get3A_165 = arith.index_cast %scan3A_23 : i32 to index
      %get3A_166 = arith.constant 192 : index
      %get3A_167 = tpu.vector_load %arg4[%get3A_165, %get3A_166] {strides = array<i32>} : memref<100x256xi32, #tpu.memory_space<vmem>>, vector<16xi32>,
      %and3A_168 = arith.constant 511 : i32
      %and3A_169 = vector.broadcast %and3A_168 : i32 to vector<16xi32>
      %and3A_170 = arith.andi %get3A_167, %and3A_169 : vector<16xi32>
      %shift_right_arithmetic3A_171 = arith.constant 9 : i32
      %shift_right_arithmetic3A_172 = vector.broadcast %shift_right_arithmetic3A_171 : i32 to vector<16xi32>
      %shift_right_arithmetic3A_173 = arith.shrsi %get3A_167, %shift_right_arithmetic3A_172 : vector<16xi32>
      %add3A_174 = arith.constant 0 : i32
      %add3A_175 = vector.broadcast %add3A_174 : i32 to vector<16xi32>
      %add3A_176 = arith.addi %iota3A, %add3A_175 : vector<16xi32>
      tpu.vector_store_idx %arg5[%add3A_176, %and3A_170], %broadcast_in_dim3A_14 {add = true} : memref<64x384xi32, #tpu.memory_space<vmem>>[vector<16xi32>, vector<16xi32>], vector<16xi32>,
      tpu.vector_store_idx %arg5[%add3A_176, %shift_right_arithmetic3A_173], %broadcast_in_dim3A_14 {add = true} : memref<64x384xi32, #tpu.memory_space<vmem>>[vector<16xi32>, vector<16xi32>], vector<16xi32>,
      %get3A_177 = arith.index_cast %scan3A_23 : i32 to index
      %get3A_178 = arith.constant 208 : index
      %get3A_179 = tpu.vector_load %arg4[%get3A_177, %get3A_178] {strides = array<i32>} : memref<100x256xi32, #tpu.memory_space<vmem>>, vector<16xi32>,
      %and3A_180 = arith.constant 511 : i32
      %and3A_181 = vector.broadcast %and3A_180 : i32 to vector<16xi32>
      %and3A_182 = arith.andi %get3A_179, %and3A_181 : vector<16xi32>
      %shift_right_arithmetic3A_183 = arith.constant 9 : i32
      %shift_right_arithmetic3A_184 = vector.broadcast %shift_right_arithmetic3A_183 : i32 to vector<16xi32>
      %shift_right_arithmetic3A_185 = arith.shrsi %get3A_179, %shift_right_arithmetic3A_184 : vector<16xi32>
      %add3A_186 = arith.constant 16 : i32
      %add3A_187 = vector.broadcast %add3A_186 : i32 to vector<16xi32>
      %add3A_188 = arith.addi %iota3A, %add3A_187 : vector<16xi32>
      tpu.vector_store_idx %arg5[%add3A_188, %and3A_182], %broadcast_in_dim3A_14 {add = true} : memref<64x384xi32, #tpu.memory_space<vmem>>[vector<16xi32>, vector<16xi32>], vector<16xi32>,
      tpu.vector_store_idx %arg5[%add3A_188, %shift_right_arithmetic3A_185], %broadcast_in_dim3A_14 {add = true} : memref<64x384xi32, #tpu.memory_space<vmem>>[vector<16xi32>, vector<16xi32>], vector<16xi32>,
      %get3A_189 = arith.index_cast %scan3A_23 : i32 to index
      %get3A_190 = arith.constant 224 : index
      %get3A_191 = tpu.vector_load %arg4[%get3A_189, %get3A_190] {strides = array<i32>} : memref<100x256xi32, #tpu.memory_space<vmem>>, vector<16xi32>,
      %and3A_192 = arith.constant 511 : i32
      %and3A_193 = vector.broadcast %and3A_192 : i32 to vector<16xi32>
      %and3A_194 = arith.andi %get3A_191, %and3A_193 : vector<16xi32>
      %shift_right_arithmetic3A_195 = arith.constant 9 : i32
      %shift_right_arithmetic3A_196 = vector.broadcast %shift_right_arithmetic3A_195 : i32 to vector<16xi32>
      %shift_right_arithmetic3A_197 = arith.shrsi %get3A_191, %shift_right_arithmetic3A_196 : vector<16xi32>
      %add3A_198 = arith.constant 32 : i32
      %add3A_199 = vector.broadcast %add3A_198 : i32 to vector<16xi32>
      %add3A_200 = arith.addi %iota3A, %add3A_199 : vector<16xi32>
      tpu.vector_store_idx %arg5[%add3A_200, %and3A_194], %broadcast_in_dim3A_14 {add = true} : memref<64x384xi32, #tpu.memory_space<vmem>>[vector<16xi32>, vector<16xi32>], vector<16xi32>,
      tpu.vector_store_idx %arg5[%add3A_200, %shift_right_arithmetic3A_197], %broadcast_in_dim3A_14 {add = true} : memref<64x384xi32, #tpu.memory_space<vmem>>[vector<16xi32>, vector<16xi32>], vector<16xi32>,
      %get3A_201 = arith.index_cast %scan3A_23 : i32 to index
      %get3A_202 = arith.constant 240 : index
      %get3A_203 = tpu.vector_load %arg4[%get3A_201, %get3A_202] {strides = array<i32>} : memref<100x256xi32, #tpu.memory_space<vmem>>, vector<16xi32>,
      %and3A_204 = arith.constant 511 : i32
      %and3A_205 = vector.broadcast %and3A_204 : i32 to vector<16xi32>
      %and3A_206 = arith.andi %get3A_203, %and3A_205 : vector<16xi32>
      %shift_right_arithmetic3A_207 = arith.constant 9 : i32
      %shift_right_arithmetic3A_208 = vector.broadcast %shift_right_arithmetic3A_207 : i32 to vector<16xi32>
      %shift_right_arithmetic3A_209 = arith.shrsi %get3A_203, %shift_right_arithmetic3A_208 : vector<16xi32>
      %add3A_210 = arith.constant 48 : i32
      %add3A_211 = vector.broadcast %add3A_210 : i32 to vector<16xi32>
      %add3A_212 = arith.addi %iota3A, %add3A_211 : vector<16xi32>
      tpu.vector_store_idx %arg5[%add3A_212, %and3A_206], %broadcast_in_dim3A_14 {add = true} : memref<64x384xi32, #tpu.memory_space<vmem>>[vector<16xi32>, vector<16xi32>], vector<16xi32>,
      tpu.vector_store_idx %arg5[%add3A_212, %shift_right_arithmetic3A_209], %broadcast_in_dim3A_14 {add = true} : memref<64x384xi32, #tpu.memory_space<vmem>>[vector<16xi32>, vector<16xi32>], vector<16xi32>,
    }
    %scan3A_20 = arith.constant 100 : i32
    %mul3A_21 = arith.constant 64 : i32
    %mul3A_22 = arith.muli %add3A, %mul3A_21 : i32
    "tpu.region"() ({
      %run_scoped3A = tpu.sem_alloc : memref<!tpu.dma_semaphore, #tpu.memory_space<semaphore_mem>>
      %dma_start3A = arith.constant 0 : i32
      %dma_start3A_23 = tpu.memref_slice %arg3[%mul3A_22, %dma_start3A] : memref<2048x384xi32, #tpu.memory_space<hbm>> -> memref<64x384xi32, #tpu.memory_space<hbm>>
      %dma_start3A_24 = arith.constant 0 : i32
      %dma_start3A_25 = tpu.memref_slice %arg3[%mul3A_22, %dma_start3A_24] : memref<2048x384xi32, #tpu.memory_space<hbm>> -> memref<64x384xi32, #tpu.memory_space<hbm>>
      tpu.enqueue_dma source(%arg5 : memref<64x384xi32, #tpu.memory_space<vmem>>) target(%dma_start3A_25 : memref<64x384xi32, #tpu.memory_space<hbm>>) target_semaphore(%run_scoped3A : memref<!tpu.dma_semaphore, #tpu.memory_space<semaphore_mem>>)
      %dma_wait3A = arith.constant 0 : i32
      %dma_wait3A_26 = tpu.memref_slice %arg3[%mul3A_22, %dma_wait3A] : memref<2048x384xi32, #tpu.memory_space<hbm>> -> memref<64x384xi32, #tpu.memory_space<hbm>>
      %dma_wait3A_27 = arith.constant 0 : i32
      %dma_wait3A_28 = tpu.memref_slice %arg3[%mul3A_22, %dma_wait3A_27] : memref<2048x384xi32, #tpu.memory_space<hbm>> -> memref<64x384xi32, #tpu.memory_space<hbm>>
      tpu.wait_dma2 semaphore(%run_scoped3A : memref<!tpu.dma_semaphore, #tpu.memory_space<semaphore_mem>>) src(%arg5 : memref<64x384xi32, #tpu.memory_space<vmem>>) dst(%dma_wait3A_28 : memref<64x384xi32, #tpu.memory_space<hbm>>)
      tpu.yield
    }) : () -> ()
    return
  }
}

#map = affine_map<(d0, d1) -> (0, 0, 0)>
#map1 = affine_map<(d0, d1) -> (0, 0)>
module attributes {stable_mosaic.version = 14 : i64} {
  func.func @k(%arg0: i32, %arg1: i32, %arg2: memref<32x100x256xi32, #tpu.memory_space<hbm>>, %arg3: memref<2048x384xi32, #tpu.memory_space<hbm>>, %arg4: memref<100x256xi32, #tpu.memory_space<vmem>>, %arg5: memref<64x384xi32, #tpu.memory_space<vmem>>) attributes {dimension_semantics = [#tpu.dimension_semantics<core_parallel>, #tpu.dimension_semantics<subcore_parallel>], iteration_bounds = array<i64: 2, 16>, scalar_prefetch = 0 : i64, scratch_operands = 2 : i64, tpu.core_type = #tpu.core_type<sc_vector_subcore>, window_params = [{transform_indices = #map}, {transform_indices = #map1}]} {
    %mul3A = arith.constant 2 : i32
    %mul3A_0 = arith.muli %arg1, %mul3A : i32
    %add3A = arith.addi %mul3A_0, %arg0 : i32
    %iota3A = tpu.iota {dimensions = array<i32: 0>} : vector<16xi32>
    %broadcast_in_dim3A = arith.constant 0 : i32
    %broadcast_in_dim3A_1 = vector.broadcast %broadcast_in_dim3A : i32 to vector<16xi32>
    %scan3A = arith.constant 0 : i32
    %scan3A_2 = arith.constant 0 : i32
    %scan3A_3 = arith.constant 64 : i32
    %scan3A_4 = arith.addi %scan3A_2, %scan3A_3 : i32
    %scan3A_5 = arith.constant 1 : i32
    scf.for %scan3A_23 = %scan3A_2 to %scan3A_4 step %scan3A_5  : i32 {
      %swap3A = arith.index_cast %scan3A_23 : i32 to index
      %swap3A_24 = arith.constant 0 : index
      %swap3A_25 = tpu.vector_load %arg5[%swap3A, %swap3A_24] {strides = array<i32>} : memref<64x384xi32, #tpu.memory_space<vmem>>, vector<16xi32>,
      tpu.vector_store %arg5[%swap3A, %swap3A_24], %broadcast_in_dim3A_1 {strides = array<i32>} : memref<64x384xi32, #tpu.memory_space<vmem>>, vector<16xi32>,
      %swap3A_26 = arith.index_cast %scan3A_23 : i32 to index
      %swap3A_27 = arith.constant 16 : index
      %swap3A_28 = tpu.vector_load %arg5[%swap3A_26, %swap3A_27] {strides = array<i32>} : memref<64x384xi32, #tpu.memory_space<vmem>>, vector<16xi32>,
      tpu.vector_store %arg5[%swap3A_26, %swap3A_27], %broadcast_in_dim3A_1 {strides = array<i32>} : memref<64x384xi32, #tpu.memory_space<vmem>>, vector<16xi32>,
      %swap3A_29 = arith.index_cast %scan3A_23 : i32 to index
      %swap3A_30 = arith.constant 32 : index
      %swap3A_31 = tpu.vector_load %arg5[%swap3A_29, %swap3A_30] {strides = array<i32>} : memref<64x384xi32, #tpu.memory_space<vmem>>, vector<16xi32>,
      tpu.vector_store %arg5[%swap3A_29, %swap3A_30], %broadcast_in_dim3A_1 {strides = array<i32>} : memref<64x384xi32, #tpu.memory_space<vmem>>, vector<16xi32>,
      %swap3A_32 = arith.index_cast %scan3A_23 : i32 to index
      %swap3A_33 = arith.constant 48 : index
      %swap3A_34 = tpu.vector_load %arg5[%swap3A_32, %swap3A_33] {strides = array<i32>} : memref<64x384xi32, #tpu.memory_space<vmem>>, vector<16xi32>,
      tpu.vector_store %arg5[%swap3A_32, %swap3A_33], %broadcast_in_dim3A_1 {strides = array<i32>} : memref<64x384xi32, #tpu.memory_space<vmem>>, vector<16xi32>,
      %swap3A_35 = arith.index_cast %scan3A_23 : i32 to index
      %swap3A_36 = arith.constant 64 : index
      %swap3A_37 = tpu.vector_load %arg5[%swap3A_35, %swap3A_36] {strides = array<i32>} : memref<64x384xi32, #tpu.memory_space<vmem>>, vector<16xi32>,
      tpu.vector_store %arg5[%swap3A_35, %swap3A_36], %broadcast_in_dim3A_1 {strides = array<i32>} : memref<64x384xi32, #tpu.memory_space<vmem>>, vector<16xi32>,
      %swap3A_38 = arith.index_cast %scan3A_23 : i32 to index
      %swap3A_39 = arith.constant 80 : index
      %swap3A_40 = tpu.vector_load %arg5[%swap3A_38, %swap3A_39] {strides = array<i32>} : memref<64x384xi32, #tpu.memory_space<vmem>>, vector<16xi32>,
      tpu.vector_store %arg5[%swap3A_38, %swap3A_39], %broadcast_in_dim3A_1 {strides = array<i32>} : memref<64x384xi32, #tpu.memory_space<vmem>>, vector<16xi32>,
      %swap3A_41 = arith.index_cast %scan3A_23 : i32 to index
      %swap3A_42 = arith.constant 96 : index
      %swap3A_43 = tpu.vector_load %arg5[%swap3A_41, %swap3A_42] {strides = array<i32>} : memref<64x384xi32, #tpu.memory_space<vmem>>, vector<16xi32>,
      tpu.vector_store %arg5[%swap3A_41, %swap3A_42], %broadcast_in_dim3A_1 {strides = array<i32>} : memref<64x384xi32, #tpu.memory_space<vmem>>, vector<16xi32>,
      %swap3A_44 = arith.index_cast %scan3A_23 : i32 to index
      %swap3A_45 = arith.constant 112 : index
      %swap3A_46 = tpu.vector_load %arg5[%swap3A_44, %swap3A_45] {strides = array<i32>} : memref<64x384xi32, #tpu.memory_space<vmem>>, vector<16xi32>,
      tpu.vector_store %arg5[%swap3A_44, %swap3A_45], %broadcast_in_dim3A_1 {strides = array<i32>} : memref<64x384xi32, #tpu.memory_space<vmem>>, vector<16xi32>,
      %swap3A_47 = arith.index_cast %scan3A_23 : i32 to index
      %swap3A_48 = arith.constant 128 : index
      %swap3A_49 = tpu.vector_load %arg5[%swap3A_47, %swap3A_48] {strides = array<i32>} : memref<64x384xi32, #tpu.memory_space<vmem>>, vector<16xi32>,
      tpu.vector_store %arg5[%swap3A_47, %swap3A_48], %broadcast_in_dim3A_1 {strides = array<i32>} : memref<64x384xi32, #tpu.memory_space<vmem>>, vector<16xi32>,
      %swap3A_50 = arith.index_cast %scan3A_23 : i32 to index
      %swap3A_51 = arith.constant 144 : index
      %swap3A_52 = tpu.vector_load %arg5[%swap3A_50, %swap3A_51] {strides = array<i32>} : memref<64x384xi32, #tpu.memory_space<vmem>>, vector<16xi32>,
      tpu.vector_store %arg5[%swap3A_50, %swap3A_51], %broadcast_in_dim3A_1 {strides = array<i32>} : memref<64x384xi32, #tpu.memory_space<vmem>>, vector<16xi32>,
      %swap3A_53 = arith.index_cast %scan3A_23 : i32 to index
      %swap3A_54 = arith.constant 160 : index
      %swap3A_55 = tpu.vector_load %arg5[%swap3A_53, %swap3A_54] {strides = array<i32>} : memref<64x384xi32, #tpu.memory_space<vmem>>, vector<16xi32>,
      tpu.vector_store %arg5[%swap3A_53, %swap3A_54], %broadcast_in_dim3A_1 {strides = array<i32>} : memref<64x384xi32, #tpu.memory_space<vmem>>, vector<16xi32>,
      %swap3A_56 = arith.index_cast %scan3A_23 : i32 to index
      %swap3A_57 = arith.constant 176 : index
      %swap3A_58 = tpu.vector_load %arg5[%swap3A_56, %swap3A_57] {strides = array<i32>} : memref<64x384xi32, #tpu.memory_space<vmem>>, vector<16xi32>,
      tpu.vector_store %arg5[%swap3A_56, %swap3A_57], %broadcast_in_dim3A_1 {strides = array<i32>} : memref<64x384xi32, #tpu.memory_space<vmem>>, vector<16xi32>,
      %swap3A_59 = arith.index_cast %scan3A_23 : i32 to index
      %swap3A_60 = arith.constant 192 : index
      %swap3A_61 = tpu.vector_load %arg5[%swap3A_59, %swap3A_60] {strides = array<i32>} : memref<64x384xi32, #tpu.memory_space<vmem>>, vector<16xi32>,
      tpu.vector_store %arg5[%swap3A_59, %swap3A_60], %broadcast_in_dim3A_1 {strides = array<i32>} : memref<64x384xi32, #tpu.memory_space<vmem>>, vector<16xi32>,
      %swap3A_62 = arith.index_cast %scan3A_23 : i32 to index
      %swap3A_63 = arith.constant 208 : index
      %swap3A_64 = tpu.vector_load %arg5[%swap3A_62, %swap3A_63] {strides = array<i32>} : memref<64x384xi32, #tpu.memory_space<vmem>>, vector<16xi32>,
      tpu.vector_store %arg5[%swap3A_62, %swap3A_63], %broadcast_in_dim3A_1 {strides = array<i32>} : memref<64x384xi32, #tpu.memory_space<vmem>>, vector<16xi32>,
      %swap3A_65 = arith.index_cast %scan3A_23 : i32 to index
      %swap3A_66 = arith.constant 224 : index
      %swap3A_67 = tpu.vector_load %arg5[%swap3A_65, %swap3A_66] {strides = array<i32>} : memref<64x384xi32, #tpu.memory_space<vmem>>, vector<16xi32>,
      tpu.vector_store %arg5[%swap3A_65, %swap3A_66], %broadcast_in_dim3A_1 {strides = array<i32>} : memref<64x384xi32, #tpu.memory_space<vmem>>, vector<16xi32>,
      %swap3A_68 = arith.index_cast %scan3A_23 : i32 to index
      %swap3A_69 = arith.constant 240 : index
      %swap3A_70 = tpu.vector_load %arg5[%swap3A_68, %swap3A_69] {strides = array<i32>} : memref<64x384xi32, #tpu.memory_space<vmem>>, vector<16xi32>,
      tpu.vector_store %arg5[%swap3A_68, %swap3A_69], %broadcast_in_dim3A_1 {strides = array<i32>} : memref<64x384xi32, #tpu.memory_space<vmem>>, vector<16xi32>,
      %swap3A_71 = arith.index_cast %scan3A_23 : i32 to index
      %swap3A_72 = arith.constant 256 : index
      %swap3A_73 = tpu.vector_load %arg5[%swap3A_71, %swap3A_72] {strides = array<i32>} : memref<64x384xi32, #tpu.memory_space<vmem>>, vector<16xi32>,
      tpu.vector_store %arg5[%swap3A_71, %swap3A_72], %broadcast_in_dim3A_1 {strides = array<i32>} : memref<64x384xi32, #tpu.memory_space<vmem>>, vector<16xi32>,
      %swap3A_74 = arith.index_cast %scan3A_23 : i32 to index
      %swap3A_75 = arith.constant 272 : index
      %swap3A_76 = tpu.vector_load %arg5[%swap3A_74, %swap3A_75] {strides = array<i32>} : memref<64x384xi32, #tpu.memory_space<vmem>>, vector<16xi32>,
      tpu.vector_store %arg5[%swap3A_74, %swap3A_75], %broadcast_in_dim3A_1 {strides = array<i32>} : memref<64x384xi32, #tpu.memory_space<vmem>>, vector<16xi32>,
      %swap3A_77 = arith.index_cast %scan3A_23 : i32 to index
      %swap3A_78 = arith.constant 288 : index
      %swap3A_79 = tpu.vector_load %arg5[%swap3A_77, %swap3A_78] {strides = array<i32>} : memref<64x384xi32, #tpu.memory_space<vmem>>, vector<16xi32>,
      tpu.vector_store %arg5[%swap3A_77, %swap3A_78], %broadcast_in_dim3A_1 {strides = array<i32>} : memref<64x384xi32, #tpu.memory_space<vmem>>, vector<16xi32>,
      %swap3A_80 = arith.index_cast %scan3A_23 : i32 to index
      %swap3A_81 = arith.constant 304 : index
      %swap3A_82 = tpu.vector_load %arg5[%swap3A_80, %swap3A_81] {strides = array<i32>} : memref<64x384xi32, #tpu.memory_space<vmem>>, vector<16xi32>,
      tpu.vector_store %arg5[%swap3A_80, %swap3A_81], %broadcast_in_dim3A_1 {strides = array<i32>} : memref<64x384xi32, #tpu.memory_space<vmem>>, vector<16xi32>,
      %swap3A_83 = arith.index_cast %scan3A_23 : i32 to index
      %swap3A_84 = arith.constant 320 : index
      %swap3A_85 = tpu.vector_load %arg5[%swap3A_83, %swap3A_84] {strides = array<i32>} : memref<64x384xi32, #tpu.memory_space<vmem>>, vector<16xi32>,
      tpu.vector_store %arg5[%swap3A_83, %swap3A_84], %broadcast_in_dim3A_1 {strides = array<i32>} : memref<64x384xi32, #tpu.memory_space<vmem>>, vector<16xi32>,
      %swap3A_86 = arith.index_cast %scan3A_23 : i32 to index
      %swap3A_87 = arith.constant 336 : index
      %swap3A_88 = tpu.vector_load %arg5[%swap3A_86, %swap3A_87] {strides = array<i32>} : memref<64x384xi32, #tpu.memory_space<vmem>>, vector<16xi32>,
      tpu.vector_store %arg5[%swap3A_86, %swap3A_87], %broadcast_in_dim3A_1 {strides = array<i32>} : memref<64x384xi32, #tpu.memory_space<vmem>>, vector<16xi32>,
      %swap3A_89 = arith.index_cast %scan3A_23 : i32 to index
      %swap3A_90 = arith.constant 352 : index
      %swap3A_91 = tpu.vector_load %arg5[%swap3A_89, %swap3A_90] {strides = array<i32>} : memref<64x384xi32, #tpu.memory_space<vmem>>, vector<16xi32>,
      tpu.vector_store %arg5[%swap3A_89, %swap3A_90], %broadcast_in_dim3A_1 {strides = array<i32>} : memref<64x384xi32, #tpu.memory_space<vmem>>, vector<16xi32>,
      %swap3A_92 = arith.index_cast %scan3A_23 : i32 to index
      %swap3A_93 = arith.constant 368 : index
      %swap3A_94 = tpu.vector_load %arg5[%swap3A_92, %swap3A_93] {strides = array<i32>} : memref<64x384xi32, #tpu.memory_space<vmem>>, vector<16xi32>,
      tpu.vector_store %arg5[%swap3A_92, %swap3A_93], %broadcast_in_dim3A_1 {strides = array<i32>} : memref<64x384xi32, #tpu.memory_space<vmem>>, vector<16xi32>,
    }
    %scan3A_6 = arith.constant 64 : i32
    "tpu.region"() ({
      %run_scoped3A = tpu.sem_alloc : memref<!tpu.dma_semaphore, #tpu.memory_space<semaphore_mem>>
      %dma_start3A = arith.constant 0 : i32
      %dma_start3A_23 = arith.constant 0 : i32
      %dma_start3A_24 = tpu.memref_slice %arg2[%add3A, %dma_start3A, %dma_start3A_23] : memref<32x100x256xi32, #tpu.memory_space<hbm>> -> memref<1x100x256xi32, #tpu.memory_space<hbm>>
      %dma_start3A_25 = tpu.memref_squeeze %dma_start3A_24 : memref<1x100x256xi32, #tpu.memory_space<hbm>> -> memref<100x256xi32, #tpu.memory_space<hbm>>
      %dma_start3A_26 = arith.constant 0 : i32
      %dma_start3A_27 = arith.constant 0 : i32
      %dma_start3A_28 = tpu.memref_slice %arg2[%add3A, %dma_start3A_26, %dma_start3A_27] : memref<32x100x256xi32, #tpu.memory_space<hbm>> -> memref<1x100x256xi32, #tpu.memory_space<hbm>>
      %dma_start3A_29 = tpu.memref_squeeze %dma_start3A_28 : memref<1x100x256xi32, #tpu.memory_space<hbm>> -> memref<100x256xi32, #tpu.memory_space<hbm>>
      tpu.enqueue_dma source(%dma_start3A_29 : memref<100x256xi32, #tpu.memory_space<hbm>>) target(%arg4 : memref<100x256xi32, #tpu.memory_space<vmem>>) target_semaphore(%run_scoped3A : memref<!tpu.dma_semaphore, #tpu.memory_space<semaphore_mem>>)
      %dma_wait3A = arith.constant 0 : i32
      %dma_wait3A_30 = arith.constant 0 : i32
      %dma_wait3A_31 = tpu.memref_slice %arg2[%add3A, %dma_wait3A, %dma_wait3A_30] : memref<32x100x256xi32, #tpu.memory_space<hbm>> -> memref<1x100x256xi32, #tpu.memory_space<hbm>>
      %dma_wait3A_32 = tpu.memref_squeeze %dma_wait3A_31 : memref<1x100x256xi32, #tpu.memory_space<hbm>> -> memref<100x256xi32, #tpu.memory_space<hbm>>
      %dma_wait3A_33 = arith.constant 0 : i32
      %dma_wait3A_34 = arith.constant 0 : i32
      %dma_wait3A_35 = tpu.memref_slice %arg2[%add3A, %dma_wait3A_33, %dma_wait3A_34] : memref<32x100x256xi32, #tpu.memory_space<hbm>> -> memref<1x100x256xi32, #tpu.memory_space<hbm>>
      %dma_wait3A_36 = tpu.memref_squeeze %dma_wait3A_35 : memref<1x100x256xi32, #tpu.memory_space<hbm>> -> memref<100x256xi32, #tpu.memory_space<hbm>>
      tpu.wait_dma2 semaphore(%run_scoped3A : memref<!tpu.dma_semaphore, #tpu.memory_space<semaphore_mem>>) src(%dma_wait3A_36 : memref<100x256xi32, #tpu.memory_space<hbm>>) dst(%arg4 : memref<100x256xi32, #tpu.memory_space<vmem>>)
      tpu.yield
    }) : () -> ()
    %broadcast_in_dim3A_7 = arith.constant 1 : i32
    %broadcast_in_dim3A_8 = vector.broadcast %broadcast_in_dim3A_7 : i32 to vector<16xi32>
    %broadcast_in_dim3A_9 = arith.constant 256 : i32
    %broadcast_in_dim3A_10 = vector.broadcast %broadcast_in_dim3A_9 : i32 to vector<16xi32>
    %broadcast_in_dim3A_11 = arith.constant 65536 : i32
    %broadcast_in_dim3A_12 = vector.broadcast %broadcast_in_dim3A_11 : i32 to vector<16xi32>
    %broadcast_in_dim3A_13 = arith.constant 16777216 : i32
    %broadcast_in_dim3A_14 = vector.broadcast %broadcast_in_dim3A_13 : i32 to vector<16xi32>
    %scan3A_15 = arith.constant 0 : i32
    %scan3A_16 = arith.constant 0 : i32
    %scan3A_17 = arith.constant 100 : i32
    %scan3A_18 = arith.addi %scan3A_16, %scan3A_17 : i32
    %scan3A_19 = arith.constant 1 : i32
    scf.for %scan3A_23 = %scan3A_16 to %scan3A_18 step %scan3A_19  : i32 {
      %get3A = arith.index_cast %scan3A_23 : i32 to index
      %get3A_24 = arith.constant 0 : index
      %get3A_25 = tpu.vector_load %arg4[%get3A, %get3A_24] {strides = array<i32>} : memref<100x256xi32, #tpu.memory_space<vmem>>, vector<16xi32>,
      %and3A = arith.constant 511 : i32
      %and3A_26 = vector.broadcast %and3A : i32 to vector<16xi32>
      %and3A_27 = arith.andi %get3A_25, %and3A_26 : vector<16xi32>
      %shift_right_arithmetic3A = arith.constant 9 : i32
      %shift_right_arithmetic3A_28 = vector.broadcast %shift_right_arithmetic3A : i32 to vector<16xi32>
      %shift_right_arithmetic3A_29 = arith.shrsi %get3A_25, %shift_right_arithmetic3A_28 : vector<16xi32>
      %add3A_30 = arith.constant 0 : i32
      %add3A_31 = vector.broadcast %add3A_30 : i32 to vector<16xi32>
      %add3A_32 = arith.addi %iota3A, %add3A_31 : vector<16xi32>
      tpu.vector_store_idx %arg5[%add3A_32, %and3A_27], %broadcast_in_dim3A_8 {add = true} : memref<64x384xi32, #tpu.memory_space<vmem>>[vector<16xi32>, vector<16xi32>], vector<16xi32>,
      tpu.vector_store_idx %arg5[%add3A_32, %shift_right_arithmetic3A_29], %broadcast_in_dim3A_8 {add = true} : memref<64x384xi32, #tpu.memory_space<vmem>>[vector<16xi32>, vector<16xi32>], vector<16xi32>,
      %get3A_33 = arith.index_cast %scan3A_23 : i32 to index
      %get3A_34 = arith.constant 16 : index
      %get3A_35 = tpu.vector_load %arg4[%get3A_33, %get3A_34] {strides = array<i32>} : memref<100x256xi32, #tpu.memory_space<vmem>>, vector<16xi32>,
      %and3A_36 = arith.constant 511 : i32
      %and3A_37 = vector.broadcast %and3A_36 : i32 to vector<16xi32>
      %and3A_38 = arith.andi %get3A_35, %and3A_37 : vector<16xi32>
      %shift_right_arithmetic3A_39 = arith.constant 9 : i32
      %shift_right_arithmetic3A_40 = vector.broadcast %shift_right_arithmetic3A_39 : i32 to vector<16xi32>
      %shift_right_arithmetic3A_41 = arith.shrsi %get3A_35, %shift_right_arithmetic3A_40 : vector<16xi32>
      %add3A_42 = arith.constant 16 : i32
      %add3A_43 = vector.broadcast %add3A_42 : i32 to vector<16xi32>
      %add3A_44 = arith.addi %iota3A, %add3A_43 : vector<16xi32>
      tpu.vector_store_idx %arg5[%add3A_44, %and3A_38], %broadcast_in_dim3A_8 {add = true} : memref<64x384xi32, #tpu.memory_space<vmem>>[vector<16xi32>, vector<16xi32>], vector<16xi32>,
      tpu.vector_store_idx %arg5[%add3A_44, %shift_right_arithmetic3A_41], %broadcast_in_dim3A_8 {add = true} : memref<64x384xi32, #tpu.memory_space<vmem>>[vector<16xi32>, vector<16xi32>], vector<16xi32>,
      %get3A_45 = arith.index_cast %scan3A_23 : i32 to index
      %get3A_46 = arith.constant 32 : index
      %get3A_47 = tpu.vector_load %arg4[%get3A_45, %get3A_46] {strides = array<i32>} : memref<100x256xi32, #tpu.memory_space<vmem>>, vector<16xi32>,
      %and3A_48 = arith.constant 511 : i32
      %and3A_49 = vector.broadcast %and3A_48 : i32 to vector<16xi32>
      %and3A_50 = arith.andi %get3A_47, %and3A_49 : vector<16xi32>
      %shift_right_arithmetic3A_51 = arith.constant 9 : i32
      %shift_right_arithmetic3A_52 = vector.broadcast %shift_right_arithmetic3A_51 : i32 to vector<16xi32>
      %shift_right_arithmetic3A_53 = arith.shrsi %get3A_47, %shift_right_arithmetic3A_52 : vector<16xi32>
      %add3A_54 = arith.constant 32 : i32
      %add3A_55 = vector.broadcast %add3A_54 : i32 to vector<16xi32>
      %add3A_56 = arith.addi %iota3A, %add3A_55 : vector<16xi32>
      tpu.vector_store_idx %arg5[%add3A_56, %and3A_50], %broadcast_in_dim3A_8 {add = true} : memref<64x384xi32, #tpu.memory_space<vmem>>[vector<16xi32>, vector<16xi32>], vector<16xi32>,
      tpu.vector_store_idx %arg5[%add3A_56, %shift_right_arithmetic3A_53], %broadcast_in_dim3A_8 {add = true} : memref<64x384xi32, #tpu.memory_space<vmem>>[vector<16xi32>, vector<16xi32>], vector<16xi32>,
      %get3A_57 = arith.index_cast %scan3A_23 : i32 to index
      %get3A_58 = arith.constant 48 : index
      %get3A_59 = tpu.vector_load %arg4[%get3A_57, %get3A_58] {strides = array<i32>} : memref<100x256xi32, #tpu.memory_space<vmem>>, vector<16xi32>,
      %and3A_60 = arith.constant 511 : i32
      %and3A_61 = vector.broadcast %and3A_60 : i32 to vector<16xi32>
      %and3A_62 = arith.andi %get3A_59, %and3A_61 : vector<16xi32>
      %shift_right_arithmetic3A_63 = arith.constant 9 : i32
      %shift_right_arithmetic3A_64 = vector.broadcast %shift_right_arithmetic3A_63 : i32 to vector<16xi32>
      %shift_right_arithmetic3A_65 = arith.shrsi %get3A_59, %shift_right_arithmetic3A_64 : vector<16xi32>
      %add3A_66 = arith.constant 48 : i32
      %add3A_67 = vector.broadcast %add3A_66 : i32 to vector<16xi32>
      %add3A_68 = arith.addi %iota3A, %add3A_67 : vector<16xi32>
      tpu.vector_store_idx %arg5[%add3A_68, %and3A_62], %broadcast_in_dim3A_8 {add = true} : memref<64x384xi32, #tpu.memory_space<vmem>>[vector<16xi32>, vector<16xi32>], vector<16xi32>,
      tpu.vector_store_idx %arg5[%add3A_68, %shift_right_arithmetic3A_65], %broadcast_in_dim3A_8 {add = true} : memref<64x384xi32, #tpu.memory_space<vmem>>[vector<16xi32>, vector<16xi32>], vector<16xi32>,
      %get3A_69 = arith.index_cast %scan3A_23 : i32 to index
      %get3A_70 = arith.constant 64 : index
      %get3A_71 = tpu.vector_load %arg4[%get3A_69, %get3A_70] {strides = array<i32>} : memref<100x256xi32, #tpu.memory_space<vmem>>, vector<16xi32>,
      %and3A_72 = arith.constant 511 : i32
      %and3A_73 = vector.broadcast %and3A_72 : i32 to vector<16xi32>
      %and3A_74 = arith.andi %get3A_71, %and3A_73 : vector<16xi32>
      %shift_right_arithmetic3A_75 = arith.constant 9 : i32
      %shift_right_arithmetic3A_76 = vector.broadcast %shift_right_arithmetic3A_75 : i32 to vector<16xi32>
      %shift_right_arithmetic3A_77 = arith.shrsi %get3A_71, %shift_right_arithmetic3A_76 : vector<16xi32>
      %add3A_78 = arith.constant 0 : i32
      %add3A_79 = vector.broadcast %add3A_78 : i32 to vector<16xi32>
      %add3A_80 = arith.addi %iota3A, %add3A_79 : vector<16xi32>
      tpu.vector_store_idx %arg5[%add3A_80, %and3A_74], %broadcast_in_dim3A_10 {add = true} : memref<64x384xi32, #tpu.memory_space<vmem>>[vector<16xi32>, vector<16xi32>], vector<16xi32>,
      tpu.vector_store_idx %arg5[%add3A_80, %shift_right_arithmetic3A_77], %broadcast_in_dim3A_10 {add = true} : memref<64x384xi32, #tpu.memory_space<vmem>>[vector<16xi32>, vector<16xi32>], vector<16xi32>,
      %get3A_81 = arith.index_cast %scan3A_23 : i32 to index
      %get3A_82 = arith.constant 80 : index
      %get3A_83 = tpu.vector_load %arg4[%get3A_81, %get3A_82] {strides = array<i32>} : memref<100x256xi32, #tpu.memory_space<vmem>>, vector<16xi32>,
      %and3A_84 = arith.constant 511 : i32
      %and3A_85 = vector.broadcast %and3A_84 : i32 to vector<16xi32>
      %and3A_86 = arith.andi %get3A_83, %and3A_85 : vector<16xi32>
      %shift_right_arithmetic3A_87 = arith.constant 9 : i32
      %shift_right_arithmetic3A_88 = vector.broadcast %shift_right_arithmetic3A_87 : i32 to vector<16xi32>
      %shift_right_arithmetic3A_89 = arith.shrsi %get3A_83, %shift_right_arithmetic3A_88 : vector<16xi32>
      %add3A_90 = arith.constant 16 : i32
      %add3A_91 = vector.broadcast %add3A_90 : i32 to vector<16xi32>
      %add3A_92 = arith.addi %iota3A, %add3A_91 : vector<16xi32>
      tpu.vector_store_idx %arg5[%add3A_92, %and3A_86], %broadcast_in_dim3A_10 {add = true} : memref<64x384xi32, #tpu.memory_space<vmem>>[vector<16xi32>, vector<16xi32>], vector<16xi32>,
      tpu.vector_store_idx %arg5[%add3A_92, %shift_right_arithmetic3A_89], %broadcast_in_dim3A_10 {add = true} : memref<64x384xi32, #tpu.memory_space<vmem>>[vector<16xi32>, vector<16xi32>], vector<16xi32>,
      %get3A_93 = arith.index_cast %scan3A_23 : i32 to index
      %get3A_94 = arith.constant 96 : index
      %get3A_95 = tpu.vector_load %arg4[%get3A_93, %get3A_94] {strides = array<i32>} : memref<100x256xi32, #tpu.memory_space<vmem>>, vector<16xi32>,
      %and3A_96 = arith.constant 511 : i32
      %and3A_97 = vector.broadcast %and3A_96 : i32 to vector<16xi32>
      %and3A_98 = arith.andi %get3A_95, %and3A_97 : vector<16xi32>
      %shift_right_arithmetic3A_99 = arith.constant 9 : i32
      %shift_right_arithmetic3A_100 = vector.broadcast %shift_right_arithmetic3A_99 : i32 to vector<16xi32>
      %shift_right_arithmetic3A_101 = arith.shrsi %get3A_95, %shift_right_arithmetic3A_100 : vector<16xi32>
      %add3A_102 = arith.constant 32 : i32
      %add3A_103 = vector.broadcast %add3A_102 : i32 to vector<16xi32>
      %add3A_104 = arith.addi %iota3A, %add3A_103 : vector<16xi32>
      tpu.vector_store_idx %arg5[%add3A_104, %and3A_98], %broadcast_in_dim3A_10 {add = true} : memref<64x384xi32, #tpu.memory_space<vmem>>[vector<16xi32>, vector<16xi32>], vector<16xi32>,
      tpu.vector_store_idx %arg5[%add3A_104, %shift_right_arithmetic3A_101], %broadcast_in_dim3A_10 {add = true} : memref<64x384xi32, #tpu.memory_space<vmem>>[vector<16xi32>, vector<16xi32>], vector<16xi32>,
      %get3A_105 = arith.index_cast %scan3A_23 : i32 to index
      %get3A_106 = arith.constant 112 : index
      %get3A_107 = tpu.vector_load %arg4[%get3A_105, %get3A_106] {strides = array<i32>} : memref<100x256xi32, #tpu.memory_space<vmem>>, vector<16xi32>,
      %and3A_108 = arith.constant 511 : i32
      %and3A_109 = vector.broadcast %and3A_108 : i32 to vector<16xi32>
      %and3A_110 = arith.andi %get3A_107, %and3A_109 : vector<16xi32>
      %shift_right_arithmetic3A_111 = arith.constant 9 : i32
      %shift_right_arithmetic3A_112 = vector.broadcast %shift_right_arithmetic3A_111 : i32 to vector<16xi32>
      %shift_right_arithmetic3A_113 = arith.shrsi %get3A_107, %shift_right_arithmetic3A_112 : vector<16xi32>
      %add3A_114 = arith.constant 48 : i32
      %add3A_115 = vector.broadcast %add3A_114 : i32 to vector<16xi32>
      %add3A_116 = arith.addi %iota3A, %add3A_115 : vector<16xi32>
      tpu.vector_store_idx %arg5[%add3A_116, %and3A_110], %broadcast_in_dim3A_10 {add = true} : memref<64x384xi32, #tpu.memory_space<vmem>>[vector<16xi32>, vector<16xi32>], vector<16xi32>,
      tpu.vector_store_idx %arg5[%add3A_116, %shift_right_arithmetic3A_113], %broadcast_in_dim3A_10 {add = true} : memref<64x384xi32, #tpu.memory_space<vmem>>[vector<16xi32>, vector<16xi32>], vector<16xi32>,
      %get3A_117 = arith.index_cast %scan3A_23 : i32 to index
      %get3A_118 = arith.constant 128 : index
      %get3A_119 = tpu.vector_load %arg4[%get3A_117, %get3A_118] {strides = array<i32>} : memref<100x256xi32, #tpu.memory_space<vmem>>, vector<16xi32>,
      %and3A_120 = arith.constant 511 : i32
      %and3A_121 = vector.broadcast %and3A_120 : i32 to vector<16xi32>
      %and3A_122 = arith.andi %get3A_119, %and3A_121 : vector<16xi32>
      %shift_right_arithmetic3A_123 = arith.constant 9 : i32
      %shift_right_arithmetic3A_124 = vector.broadcast %shift_right_arithmetic3A_123 : i32 to vector<16xi32>
      %shift_right_arithmetic3A_125 = arith.shrsi %get3A_119, %shift_right_arithmetic3A_124 : vector<16xi32>
      %add3A_126 = arith.constant 0 : i32
      %add3A_127 = vector.broadcast %add3A_126 : i32 to vector<16xi32>
      %add3A_128 = arith.addi %iota3A, %add3A_127 : vector<16xi32>
      tpu.vector_store_idx %arg5[%add3A_128, %and3A_122], %broadcast_in_dim3A_12 {add = true} : memref<64x384xi32, #tpu.memory_space<vmem>>[vector<16xi32>, vector<16xi32>], vector<16xi32>,
      tpu.vector_store_idx %arg5[%add3A_128, %shift_right_arithmetic3A_125], %broadcast_in_dim3A_12 {add = true} : memref<64x384xi32, #tpu.memory_space<vmem>>[vector<16xi32>, vector<16xi32>], vector<16xi32>,
      %get3A_129 = arith.index_cast %scan3A_23 : i32 to index
      %get3A_130 = arith.constant 144 : index
      %get3A_131 = tpu.vector_load %arg4[%get3A_129, %get3A_130] {strides = array<i32>} : memref<100x256xi32, #tpu.memory_space<vmem>>, vector<16xi32>,
      %and3A_132 = arith.constant 511 : i32
      %and3A_133 = vector.broadcast %and3A_132 : i32 to vector<16xi32>
      %and3A_134 = arith.andi %get3A_131, %and3A_133 : vector<16xi32>
      %shift_right_arithmetic3A_135 = arith.constant 9 : i32
      %shift_right_arithmetic3A_136 = vector.broadcast %shift_right_arithmetic3A_135 : i32 to vector<16xi32>
      %shift_right_arithmetic3A_137 = arith.shrsi %get3A_131, %shift_right_arithmetic3A_136 : vector<16xi32>
      %add3A_138 = arith.constant 16 : i32
      %add3A_139 = vector.broadcast %add3A_138 : i32 to vector<16xi32>
      %add3A_140 = arith.addi %iota3A, %add3A_139 : vector<16xi32>
      tpu.vector_store_idx %arg5[%add3A_140, %and3A_134], %broadcast_in_dim3A_12 {add = true} : memref<64x384xi32, #tpu.memory_space<vmem>>[vector<16xi32>, vector<16xi32>], vector<16xi32>,
      tpu.vector_store_idx %arg5[%add3A_140, %shift_right_arithmetic3A_137], %broadcast_in_dim3A_12 {add = true} : memref<64x384xi32, #tpu.memory_space<vmem>>[vector<16xi32>, vector<16xi32>], vector<16xi32>,
      %get3A_141 = arith.index_cast %scan3A_23 : i32 to index
      %get3A_142 = arith.constant 160 : index
      %get3A_143 = tpu.vector_load %arg4[%get3A_141, %get3A_142] {strides = array<i32>} : memref<100x256xi32, #tpu.memory_space<vmem>>, vector<16xi32>,
      %and3A_144 = arith.constant 511 : i32
      %and3A_145 = vector.broadcast %and3A_144 : i32 to vector<16xi32>
      %and3A_146 = arith.andi %get3A_143, %and3A_145 : vector<16xi32>
      %shift_right_arithmetic3A_147 = arith.constant 9 : i32
      %shift_right_arithmetic3A_148 = vector.broadcast %shift_right_arithmetic3A_147 : i32 to vector<16xi32>
      %shift_right_arithmetic3A_149 = arith.shrsi %get3A_143, %shift_right_arithmetic3A_148 : vector<16xi32>
      %add3A_150 = arith.constant 32 : i32
      %add3A_151 = vector.broadcast %add3A_150 : i32 to vector<16xi32>
      %add3A_152 = arith.addi %iota3A, %add3A_151 : vector<16xi32>
      tpu.vector_store_idx %arg5[%add3A_152, %and3A_146], %broadcast_in_dim3A_12 {add = true} : memref<64x384xi32, #tpu.memory_space<vmem>>[vector<16xi32>, vector<16xi32>], vector<16xi32>,
      tpu.vector_store_idx %arg5[%add3A_152, %shift_right_arithmetic3A_149], %broadcast_in_dim3A_12 {add = true} : memref<64x384xi32, #tpu.memory_space<vmem>>[vector<16xi32>, vector<16xi32>], vector<16xi32>,
      %get3A_153 = arith.index_cast %scan3A_23 : i32 to index
      %get3A_154 = arith.constant 176 : index
      %get3A_155 = tpu.vector_load %arg4[%get3A_153, %get3A_154] {strides = array<i32>} : memref<100x256xi32, #tpu.memory_space<vmem>>, vector<16xi32>,
      %and3A_156 = arith.constant 511 : i32
      %and3A_157 = vector.broadcast %and3A_156 : i32 to vector<16xi32>
      %and3A_158 = arith.andi %get3A_155, %and3A_157 : vector<16xi32>
      %shift_right_arithmetic3A_159 = arith.constant 9 : i32
      %shift_right_arithmetic3A_160 = vector.broadcast %shift_right_arithmetic3A_159 : i32 to vector<16xi32>
      %shift_right_arithmetic3A_161 = arith.shrsi %get3A_155, %shift_right_arithmetic3A_160 : vector<16xi32>
      %add3A_162 = arith.constant 48 : i32
      %add3A_163 = vector.broadcast %add3A_162 : i32 to vector<16xi32>
      %add3A_164 = arith.addi %iota3A, %add3A_163 : vector<16xi32>
      tpu.vector_store_idx %arg5[%add3A_164, %and3A_158], %broadcast_in_dim3A_12 {add = true} : memref<64x384xi32, #tpu.memory_space<vmem>>[vector<16xi32>, vector<16xi32>], vector<16xi32>,
      tpu.vector_store_idx %arg5[%add3A_164, %shift_right_arithmetic3A_161], %broadcast_in_dim3A_12 {add = true} : memref<64x384xi32, #tpu.memory_space<vmem>>[vector<16xi32>, vector<16xi32>], vector<16xi32>,
      %get3A_165 = arith.index_cast %scan3A_23 : i32 to index
      %get3A_166 = arith.constant 192 : index
      %get3A_167 = tpu.vector_load %arg4[%get3A_165, %get3A_166] {strides = array<i32>} : memref<100x256xi32, #tpu.memory_space<vmem>>, vector<16xi32>,
      %and3A_168 = arith.constant 511 : i32
      %and3A_169 = vector.broadcast %and3A_168 : i32 to vector<16xi32>
      %and3A_170 = arith.andi %get3A_167, %and3A_169 : vector<16xi32>
      %shift_right_arithmetic3A_171 = arith.constant 9 : i32
      %shift_right_arithmetic3A_172 = vector.broadcast %shift_right_arithmetic3A_171 : i32 to vector<16xi32>
      %shift_right_arithmetic3A_173 = arith.shrsi %get3A_167, %shift_right_arithmetic3A_172 : vector<16xi32>
      %add3A_174 = arith.constant 0 : i32
      %add3A_175 = vector.broadcast %add3A_174 : i32 to vector<16xi32>
      %add3A_176 = arith.addi %iota3A, %add3A_175 : vector<16xi32>
      tpu.vector_store_idx %arg5[%add3A_176, %and3A_170], %broadcast_in_dim3A_14 {add = true} : memref<64x384xi32, #tpu.memory_space<vmem>>[vector<16xi32>, vector<16xi32>], vector<16xi32>,
      tpu.vector_store_idx %arg5[%add3A_176, %shift_right_arithmetic3A_173], %broadcast_in_dim3A_14 {add = true} : memref<64x384xi32, #tpu.memory_space<vmem>>[vector<16xi32>, vector<16xi32>], vector<16xi32>,
      %get3A_177 = arith.index_cast %scan3A_23 : i32 to index
      %get3A_178 = arith.constant 208 : index
      %get3A_179 = tpu.vector_load %arg4[%get3A_177, %get3A_178] {strides = array<i32>} : memref<100x256xi32, #tpu.memory_space<vmem>>, vector<16xi32>,
      %and3A_180 = arith.constant 511 : i32
      %and3A_181 = vector.broadcast %and3A_180 : i32 to vector<16xi32>
      %and3A_182 = arith.andi %get3A_179, %and3A_181 : vector<16xi32>
      %shift_right_arithmetic3A_183 = arith.constant 9 : i32
      %shift_right_arithmetic3A_184 = vector.broadcast %shift_right_arithmetic3A_183 : i32 to vector<16xi32>
      %shift_right_arithmetic3A_185 = arith.shrsi %get3A_179, %shift_right_arithmetic3A_184 : vector<16xi32>
      %add3A_186 = arith.constant 16 : i32
      %add3A_187 = vector.broadcast %add3A_186 : i32 to vector<16xi32>
      %add3A_188 = arith.addi %iota3A, %add3A_187 : vector<16xi32>
      tpu.vector_store_idx %arg5[%add3A_188, %and3A_182], %broadcast_in_dim3A_14 {add = true} : memref<64x384xi32, #tpu.memory_space<vmem>>[vector<16xi32>, vector<16xi32>], vector<16xi32>,
      tpu.vector_store_idx %arg5[%add3A_188, %shift_right_arithmetic3A_185], %broadcast_in_dim3A_14 {add = true} : memref<64x384xi32, #tpu.memory_space<vmem>>[vector<16xi32>, vector<16xi32>], vector<16xi32>,
      %get3A_189 = arith.index_cast %scan3A_23 : i32 to index
      %get3A_190 = arith.constant 224 : index
      %get3A_191 = tpu.vector_load %arg4[%get3A_189, %get3A_190] {strides = array<i32>} : memref<100x256xi32, #tpu.memory_space<vmem>>, vector<16xi32>,
      %and3A_192 = arith.constant 511 : i32
      %and3A_193 = vector.broadcast %and3A_192 : i32 to vector<16xi32>
      %and3A_194 = arith.andi %get3A_191, %and3A_193 : vector<16xi32>
      %shift_right_arithmetic3A_195 = arith.constant 9 : i32
      %shift_right_arithmetic3A_196 = vector.broadcast %shift_right_arithmetic3A_195 : i32 to vector<16xi32>
      %shift_right_arithmetic3A_197 = arith.shrsi %get3A_191, %shift_right_arithmetic3A_196 : vector<16xi32>
      %add3A_198 = arith.constant 32 : i32
      %add3A_199 = vector.broadcast %add3A_198 : i32 to vector<16xi32>
      %add3A_200 = arith.addi %iota3A, %add3A_199 : vector<16xi32>
      tpu.vector_store_idx %arg5[%add3A_200, %and3A_194], %broadcast_in_dim3A_14 {add = true} : memref<64x384xi32, #tpu.memory_space<vmem>>[vector<16xi32>, vector<16xi32>], vector<16xi32>,
      tpu.vector_store_idx %arg5[%add3A_200, %shift_right_arithmetic3A_197], %broadcast_in_dim3A_14 {add = true} : memref<64x384xi32, #tpu.memory_space<vmem>>[vector<16xi32>, vector<16xi32>], vector<16xi32>,
      %get3A_201 = arith.index_cast %scan3A_23 : i32 to index
      %get3A_202 = arith.constant 240 : index
      %get3A_203 = tpu.vector_load %arg4[%get3A_201, %get3A_202] {strides = array<i32>} : memref<100x256xi32, #tpu.memory_space<vmem>>, vector<16xi32>,
      %and3A_204 = arith.constant 511 : i32
      %and3A_205 = vector.broadcast %and3A_204 : i32 to vector<16xi32>
      %and3A_206 = arith.andi %get3A_203, %and3A_205 : vector<16xi32>
      %shift_right_arithmetic3A_207 = arith.constant 9 : i32
      %shift_right_arithmetic3A_208 = vector.broadcast %shift_right_arithmetic3A_207 : i32 to vector<16xi32>
      %shift_right_arithmetic3A_209 = arith.shrsi %get3A_203, %shift_right_arithmetic3A_208 : vector<16xi32>
      %add3A_210 = arith.constant 48 : i32
      %add3A_211 = vector.broadcast %add3A_210 : i32 to vector<16xi32>
      %add3A_212 = arith.addi %iota3A, %add3A_211 : vector<16xi32>
      tpu.vector_store_idx %arg5[%add3A_212, %and3A_206], %broadcast_in_dim3A_14 {add = true} : memref<64x384xi32, #tpu.memory_space<vmem>>[vector<16xi32>, vector<16xi32>], vector<16xi32>,
      tpu.vector_store_idx %arg5[%add3A_212, %shift_right_arithmetic3A_209], %broadcast_in_dim3A_14 {add = true} : memref<64x384xi32, #tpu.memory_space<vmem>>[vector<16xi32>, vector<16xi32>], vector<16xi32>,
    }
    %scan3A_20 = arith.constant 100 : i32
    %mul3A_21 = arith.constant 64 : i32
    %mul3A_22 = arith.muli %add3A, %mul3A_21 : i32
    "tpu.region"() ({
      %run_scoped3A = tpu.sem_alloc : memref<!tpu.dma_semaphore, #tpu.memory_space<semaphore_mem>>
      %dma_start3A = arith.constant 0 : i32
      %dma_start3A_23 = tpu.memref_slice %arg3[%mul3A_22, %dma_start3A] : memref<2048x384xi32, #tpu.memory_space<hbm>> -> memref<64x384xi32, #tpu.memory_space<hbm>>
      %dma_start3A_24 = arith.constant 0 : i32
      %dma_start3A_25 = tpu.memref_slice %arg3[%mul3A_22, %dma_start3A_24] : memref<2048x384xi32, #tpu.memory_space<hbm>> -> memref<64x384xi32, #tpu.memory_space<hbm>>
      tpu.enqueue_dma source(%arg5 : memref<64x384xi32, #tpu.memory_space<vmem>>) target(%dma_start3A_25 : memref<64x384xi32, #tpu.memory_space<hbm>>) target_semaphore(%run_scoped3A : memref<!tpu.dma_semaphore, #tpu.memory_space<semaphore_mem>>)
      %dma_wait3A = arith.constant 0 : i32
      %dma_wait3A_26 = tpu.memref_slice %arg3[%mul3A_22, %dma_wait3A] : memref<2048x384xi32, #tpu.memory_space<hbm>> -> memref<64x384xi32, #tpu.memory_space<hbm>>
      %dma_wait3A_27 = arith.constant 0 : i32
      %dma_wait3A_28 = tpu.memref_slice %arg3[%mul3A_22, %dma_wait3A_27] : memref<2048x384xi32, #tpu.memory_space<hbm>> -> memref<64x384xi32, #tpu.memory_space<hbm>>
      tpu.wait_dma2 semaphore(%run_scoped3A : memref<!tpu.dma_semaphore, #tpu.memory_space<semaphore_mem>>) src(%arg5 : memref<64x384xi32, #tpu.memory_space<vmem>>) dst(%dma_wait3A_28 : memref<64x384xi32, #tpu.memory_space<hbm>>)
      tpu.yield
    }) : () -> ()
    return
  }
}

module attributes {stable_mosaic.version = 14 : i64} {
  func.func @body(%arg0: i32, %arg1: memref<256x384xi32, #tpu.memory_space<vmem>>, %arg2: memref<384x128xf32, #tpu.memory_space<vmem>>, %arg3: memref<128x128xf32, #tpu.memory_space<vmem>>, %arg4: memref<1x128xf32, #tpu.memory_space<vmem>>, %arg5: memref<128x128xf32, #tpu.memory_space<vmem>>, %arg6: memref<1x128xf32, #tpu.memory_space<vmem>>, %arg7: memref<1024x6xf32, #tpu.memory_space<vmem>>) attributes {dimension_semantics = [#tpu.dimension_semantics<arbitrary>], iteration_bounds = array<i64: 8>, scalar_prefetch = 0 : i64, scratch_operands = 0 : i64, tpu.core_type = #tpu.core_type<tc>, window_params = [{transform_indices = @transform_0, window_bounds = array<i64: 256, 384>}, {pipeline_mode = #tpu.pipeline_mode<synchronous>, transform_indices = @transform_1, window_bounds = array<i64: 384, 128>}, {pipeline_mode = #tpu.pipeline_mode<synchronous>, transform_indices = @transform_2, window_bounds = array<i64: 128, 128>}, {pipeline_mode = #tpu.pipeline_mode<synchronous>, transform_indices = @transform_3, window_bounds = array<i64: 1, 128>}, {pipeline_mode = #tpu.pipeline_mode<synchronous>, transform_indices = @transform_4, window_bounds = array<i64: 128, 128>}, {pipeline_mode = #tpu.pipeline_mode<synchronous>, transform_indices = @transform_5, window_bounds = array<i64: 1, 128>}, {transform_indices = @transform_6, window_bounds = array<i64: 1024, 6>}]} {
    %get3A = arith.constant 0 : index
    %get3A_0 = arith.constant 0 : index
    %get3A_1 = vector.load %arg1[%get3A, %get3A_0] : memref<256x384xi32, #tpu.memory_space<vmem>>, vector<256x384xi32>
    %reshape3A = vector.shape_cast %get3A_1 : vector<256x384xi32> to vector<4x64x384xi32>
    %shift_right_arithmetic3A = arith.constant 0 : i32
    %shift_right_arithmetic3A_2 = vector.broadcast %shift_right_arithmetic3A : i32 to vector<4x64x384xi32>
    %shift_right_arithmetic3A_3 = arith.shrsi %reshape3A, %shift_right_arithmetic3A_2 : vector<4x64x384xi32>
    %and3A = arith.constant 255 : i32
    %and3A_4 = vector.broadcast %and3A : i32 to vector<4x64x384xi32>
    %and3A_5 = arith.andi %shift_right_arithmetic3A_3, %and3A_4 : vector<4x64x384xi32>
    %convert_element_type3A = arith.sitofp %and3A_5 : vector<4x64x384xi32> to vector<4x64x384xf32>
    %shift_right_arithmetic3A_6 = arith.constant 8 : i32
    %shift_right_arithmetic3A_7 = vector.broadcast %shift_right_arithmetic3A_6 : i32 to vector<4x64x384xi32>
    %shift_right_arithmetic3A_8 = arith.shrsi %reshape3A, %shift_right_arithmetic3A_7 : vector<4x64x384xi32>
    %and3A_9 = arith.constant 255 : i32
    %and3A_10 = vector.broadcast %and3A_9 : i32 to vector<4x64x384xi32>
    %and3A_11 = arith.andi %shift_right_arithmetic3A_8, %and3A_10 : vector<4x64x384xi32>
    %convert_element_type3A_12 = arith.sitofp %and3A_11 : vector<4x64x384xi32> to vector<4x64x384xf32>
    %shift_right_arithmetic3A_13 = arith.constant 16 : i32
    %shift_right_arithmetic3A_14 = vector.broadcast %shift_right_arithmetic3A_13 : i32 to vector<4x64x384xi32>
    %shift_right_arithmetic3A_15 = arith.shrsi %reshape3A, %shift_right_arithmetic3A_14 : vector<4x64x384xi32>
    %and3A_16 = arith.constant 255 : i32
    %and3A_17 = vector.broadcast %and3A_16 : i32 to vector<4x64x384xi32>
    %and3A_18 = arith.andi %shift_right_arithmetic3A_15, %and3A_17 : vector<4x64x384xi32>
    %convert_element_type3A_19 = arith.sitofp %and3A_18 : vector<4x64x384xi32> to vector<4x64x384xf32>
    %shift_right_arithmetic3A_20 = arith.constant 24 : i32
    %shift_right_arithmetic3A_21 = vector.broadcast %shift_right_arithmetic3A_20 : i32 to vector<4x64x384xi32>
    %shift_right_arithmetic3A_22 = arith.shrsi %reshape3A, %shift_right_arithmetic3A_21 : vector<4x64x384xi32>
    %and3A_23 = arith.constant 255 : i32
    %and3A_24 = vector.broadcast %and3A_23 : i32 to vector<4x64x384xi32>
    %and3A_25 = arith.andi %shift_right_arithmetic3A_22, %and3A_24 : vector<4x64x384xi32>
    %convert_element_type3A_26 = arith.sitofp %and3A_25 : vector<4x64x384xi32> to vector<4x64x384xf32>
    %concatenate3A = tpu.concatenate %convert_element_type3A, %convert_element_type3A_12, %convert_element_type3A_19, %convert_element_type3A_26 in 1 : vector<4x64x384xf32>, vector<4x64x384xf32>, vector<4x64x384xf32>, vector<4x64x384xf32> -> vector<4x256x384xf32>
    %reshape3A_27 = vector.shape_cast %concatenate3A : vector<4x256x384xf32> to vector<1024x384xf32>
    %get3A_28 = arith.constant 0 : index
    %get3A_29 = arith.constant 0 : index
    %get3A_30 = vector.load %arg2[%get3A_28, %get3A_29] : memref<384x128xf32, #tpu.memory_space<vmem>>, vector<384x128xf32>
    %dot_general3A = arith.constant dense<0.000000e+00> : vector<1024x128xf32>
    %dot_general3A_31 = tpu.matmul %reshape3A_27, %get3A_30, %dot_general3A {dimension_numbers = #tpu.dot_dimension_numbers<[1], [0], [0], [1], [0, 0, 1, 1], [], []>, transpose_lhs_hint = false} : vector<1024x384xf32>, vector<384x128xf32>, vector<1024x128xf32> -> vector<1024x128xf32>
    %slice3A = vector.extract_strided_slice %dot_general3A_31 {offsets = [0, 12], sizes = [1024, 1], strides = [1, 1]} : vector<1024x128xf32> to vector<1024x1xf32>
    %max3A = arith.constant 1.000000e+00 : f32
    %max3A_32 = vector.broadcast %max3A : f32 to vector<1024x1xf32>
    %max3A_33 = arith.maximumf %slice3A, %max3A_32 : vector<1024x1xf32>
    %div3A = vector.broadcast %max3A_33 : vector<1024x1xf32> to vector<1024x128xf32>
    %div3A_34 = arith.divf %dot_general3A_31, %div3A : vector<1024x128xf32>
    %get3A_35 = arith.constant 0 : index
    %get3A_36 = arith.constant 0 : index
    %get3A_37 = vector.load %arg3[%get3A_35, %get3A_36] : memref<128x128xf32, #tpu.memory_space<vmem>>, vector<128x128xf32>
    %dot_general3A_38 = arith.constant dense<0.000000e+00> : vector<1024x128xf32>
    %dot_general3A_39 = tpu.matmul %div3A_34, %get3A_37, %dot_general3A_38 {dimension_numbers = #tpu.dot_dimension_numbers<[1], [0], [0], [1], [0, 0, 1, 1], [], []>, transpose_lhs_hint = false} : vector<1024x128xf32>, vector<128x128xf32>, vector<1024x128xf32> -> vector<1024x128xf32>
    %get3A_40 = arith.constant 0 : index
    %get3A_41 = arith.constant 0 : index
    %get3A_42 = vector.load %arg4[%get3A_40, %get3A_41] : memref<1x128xf32, #tpu.memory_space<vmem>>, vector<1x128xf32>
    %add3A = vector.broadcast %get3A_42 : vector<1x128xf32> to vector<1024x128xf32>
    %add3A_43 = arith.addf %dot_general3A_39, %add3A : vector<1024x128xf32>
    %max3A_44 = arith.constant 0.000000e+00 : f32
    %max3A_45 = vector.broadcast %max3A_44 : f32 to vector<1024x128xf32>
    %max3A_46 = arith.maximumf %add3A_43, %max3A_45 : vector<1024x128xf32>
    %get3A_47 = arith.constant 0 : index
    %get3A_48 = arith.constant 0 : index
    %get3A_49 = vector.load %arg5[%get3A_47, %get3A_48] : memref<128x128xf32, #tpu.memory_space<vmem>>, vector<128x128xf32>
    %dot_general3A_50 = arith.constant dense<0.000000e+00> : vector<1024x128xf32>
    %dot_general3A_51 = tpu.matmul %max3A_46, %get3A_49, %dot_general3A_50 {dimension_numbers = #tpu.dot_dimension_numbers<[1], [0], [0], [1], [0, 0, 1, 1], [], []>, transpose_lhs_hint = false} : vector<1024x128xf32>, vector<128x128xf32>, vector<1024x128xf32> -> vector<1024x128xf32>
    %get3A_52 = arith.constant 0 : index
    %get3A_53 = arith.constant 0 : index
    %get3A_54 = vector.load %arg6[%get3A_52, %get3A_53] : memref<1x128xf32, #tpu.memory_space<vmem>>, vector<1x128xf32>
    %add3A_55 = vector.broadcast %get3A_54 : vector<1x128xf32> to vector<1024x128xf32>
    %add3A_56 = arith.addf %dot_general3A_51, %add3A_55 : vector<1024x128xf32>
    %slice3A_57 = vector.extract_strided_slice %add3A_56 {offsets = [0, 0], sizes = [1024, 6], strides = [1, 1]} : vector<1024x128xf32> to vector<1024x6xf32>
    %swap3A = arith.constant 0 : index
    %swap3A_58 = arith.constant 0 : index
    %swap3A_59 = vector.load %arg7[%swap3A, %swap3A_58] : memref<1024x6xf32, #tpu.memory_space<vmem>>, vector<1024x6xf32>
    tpu.vector_store %arg7[%swap3A, %swap3A_58], %slice3A_57 {strides = array<i32>} : memref<1024x6xf32, #tpu.memory_space<vmem>>, vector<1024x6xf32>,
    return
  }
  func.func @transform_0(%arg0: i32) -> (i32, i32) {
    %c0_i32 = arith.constant 0 : i32
    %c0_i32_0 = arith.constant 0 : i32
    return %arg0, %c0_i32 : i32, i32
  }
  func.func @transform_1(%arg0: i32) -> (i32, i32) {
    %c0_i32 = arith.constant 0 : i32
    %c0_i32_0 = arith.constant 0 : i32
    %c0_i32_1 = arith.constant 0 : i32
    return %c0_i32, %c0_i32_0 : i32, i32
  }
  func.func @transform_2(%arg0: i32) -> (i32, i32) {
    %c0_i32 = arith.constant 0 : i32
    %c0_i32_0 = arith.constant 0 : i32
    %c0_i32_1 = arith.constant 0 : i32
    return %c0_i32, %c0_i32_0 : i32, i32
  }
  func.func @transform_3(%arg0: i32) -> (i32, i32) {
    %c0_i32 = arith.constant 0 : i32
    %c0_i32_0 = arith.constant 0 : i32
    %c0_i32_1 = arith.constant 0 : i32
    return %c0_i32, %c0_i32_0 : i32, i32
  }
  func.func @transform_4(%arg0: i32) -> (i32, i32) {
    %c0_i32 = arith.constant 0 : i32
    %c0_i32_0 = arith.constant 0 : i32
    %c0_i32_1 = arith.constant 0 : i32
    return %c0_i32, %c0_i32_0 : i32, i32
  }
  func.func @transform_5(%arg0: i32) -> (i32, i32) {
    %c0_i32 = arith.constant 0 : i32
    %c0_i32_0 = arith.constant 0 : i32
    %c0_i32_1 = arith.constant 0 : i32
    return %c0_i32, %c0_i32_0 : i32, i32
  }
  func.func @transform_6(%arg0: i32) -> (i32, i32) {
    %c0_i32 = arith.constant 0 : i32
    %c0_i32_0 = arith.constant 0 : i32
    return %arg0, %c0_i32 : i32, i32
  }
}

</mosaic_0001>

<sc_bundles>
// kernel: kernel.6.cloned.1.call-start
scs
__scs_entry_jumppad:
0x0: {  	(pc) =	sbr.rel $0x88, $3  }
0x1: {  	(tag) =	ssettag $0x0;
	lr =	simm.s32 $0x1  }
0x2: {  	[smem:$0x3F9A] =	sst lr;
	_ =	strace $0xD0000000  }
0x3: {  	_ = 	snop  }
0x4: {  	_ = 	snop  }
0x5: {  	_ = 	snop  }
0x6: {  	_ = 	snop  }
0x7: {  	_ = 	snop  }
__scs_overlays_trampoline_lowered:
0x8: {  	[smem:$0x3FA9] =	sst s0  }
0x9: {  	[smem:$0x3FAA] =	sst s1  }
0xa: {  	[smem:$0x3FAB] =	sst s2  }
0xb: {  	[smem:$0x3FAC] =	sst s3  }
0xc: {  	[smem:$0x3FAD] =	sst s4  }
0xd: {  	[smem:$0x3FAE] =	sst s5  }
0xe: {  	[smem:$0x3FAF] =	sst s6  }
0xf: {  	[smem:$0x3FB0] =	sst s7  }
0x10: {  	[smem:$0x3FB1] =	sst s8  }
0x11: {  	[smem:$0x3FB2] =	sst s9;
	s0 =	simm.s32 @!p0 $0x0  }
0x12: {  	s1 =	sld [smem:$0x3F98];
	s0 =	simm.s32 @p0 $0x1  }
0x13: {  	[smem:$0x3FB3] =	sst s0;
	s0 =	simm.s32 @!p1 $0x0  }
0x14: {  	s2 =	sld [smem:$0x3F97];
	s0 =	simm.s32 @p1 $0x1  }
0x15: {  	[smem:$0x3FB4] =	sst s0;
	s0 =	simm.s32 @!p2 $0x0  }
0x16: {  	s3 =	sld [smem:$0x3FDB];
	s0 =	simm.s32 @p2 $0x1  }
0x17: {  	s4 =	simm.s32 $0x1BF5;
	[smem:$0x3FB6] =	sst s0  }
0x18: {  	s0 =	sld [smem:$0x3F99];
	_ =	swait.ge [sflag:s4], $0x0  }
0x19: {  	s7 =	sld [smem:$0x3F9A]  }
0x1a: {  	s8 =	sadd.s32 $0xFFFFE003, lr  }
0x1b: {  	s9 =	sadd.s32 $0xFFFFFEF7, lr;
	s5 =	simm.s32 $0xFFFFFFFF;
	p2 =	slt.u32 s8, $0xFFFFF086  }
0x1c: {  	p1 =	slt.u32 s9, $0xF7A;
	s5 =	simm.s32 @!p2 $0x0  }
0x1d: {  	s5 =	simm.s32 @p1 $0x1;
	p0 =	seq.s32 s7, s2  }
0x1e: {  	s7 =	smul.u32 @!p0 $0xF7A, s2;
	p2 =	seq.s32 @!p0 s5, $0x0  }
0x1f: {  	s9 =	smul.u32 $0xF7A, s1;
	s8 =	simm.s32 @!p0 $0x1BF5;
	p2 =	por !p2, p0  }
0x20: {  	[sflag:s8] =	ssyncset.s32 @!p0 $0xFFFFF086;
	s6 =	sadd.s32 @!p0 s3, s7;
	s7 =	simm.s32 @!p0 $0x108  }
0x21: {  	s3 =	sadd.s32 s3, s9;
	s6 =	sadd.s32 @!p0 $0x88, s6;
	s7 =	simm.s32 @p2 $0x1082  }
0x22: {  	[simem:s7], [sflag:s8] =	dma.local @!p0 [hbm:s6], $0xF7A  }
0x23: {  	s9 =	sor.u32 $0xD0000000, s2;
	s6 =	simm.s32 $0x108;
	_ =	swait.ge @!p0 [sflag:s8], $0x0  }
0x24: {  	s3 =	sadd.s32 $0x88, s3;
	s6 =	simm.s32 @!p1 $0x1082;
	[sflag:s4] =	ssyncset.s32 $0xFFFFF086  }
0x25: {  	[simem:s6], [sflag:s4] =	dma.local [hbm:s3], $0xF7A  }
0x26: {  	[smem:$0x3F9A] =	sst s1;
	(tag) =	ssettag s2;
	_ =	strace s9  }
0x27: {  	s1 =	sld [smem:$0x3FAA]  }
0x28: {  	s2 =	sld [smem:$0x3FAB]  }
0x29: {  	s4 =	sld [smem:$0x3FAD]  }
0x2a: {  	p0 =	seq.s32 s5, $0x0;
	s5 =	sld [smem:$0x3FAE]  }
0x2b: {  	s6 =	sld [smem:$0x3FAF]  }
0x2c: {  	s7 =	sld [smem:$0x3FB0]  }
0x2d: {  	s3 =	simm.s32 $0x108;
	s8 =	sld [smem:$0x3FB1]  }
0x2e: {  	s3 =	simm.s32 @!p0 $0x1082;
	s9 =	sld [smem:$0x3FB2]  }
0x2f: {  	lr =	sadd.s32 s0, s3;
	s0 =	sld [smem:$0x3FA9]  }
0x30: {  	s3 =	sld [smem:$0x3FAC]  }
0x31: {  	[smem:$0x3FB5] =	sst s10  }
0x32: {  	s10 =	sld [smem:$0x3FB3];
	_ =	sdelay $0x3  }
0x33: {  	p0 =	seq.s32 s10, $0x1;
	s10 =	sld [smem:$0x3FB5];
	_ =	sdelay $0x3  }
0x34: {  	[smem:$0x3FB5] =	sst s10  }
0x35: {  	s10 =	sld [smem:$0x3FB4];
	_ =	sdelay $0x3  }
0x36: {  	p1 =	seq.s32 s10, $0x1;
	s10 =	sld [smem:$0x3FB5];
	_ =	sdelay $0x3  }
0x37: {  	[smem:$0x3FB5] =	sst s10  }
0x38: {  	s10 =	sld [smem:$0x3FB6]  }
0x39: {  	_ = 	snop;
	(pc) =	sbr.ind lr, $3  }
0x3a: {  	_ = 	snop  }
0x3b: {  	_ = 	snop  }
0x3c: {  	p2 =	seq.s32 s10, $0x1;
	s10 =	sld [smem:$0x3FB5]  }
0x3d: {  	_ =	shalt  }
0x3e: {  	_ =	shalt  }
0x3f: {  	_ =	shalt  }
0x40: {  	_ =	shalt  }
0x41: {  	_ =	shalt  }
0x42: {  	_ =	shalt  }
0x43: {  	_ =	shalt  }
0x44: {  	_ =	shalt  }
0x45: {  	_ =	shalt  }
0x46: {  	_ =	shalt  }
0x47: {  	_ =	shalt  }
0x48: {  	_ =	shalt  }
0x49: {  	_ =	shalt  }
0x4a: {  	_ =	shalt  }
0x4b: {  	_ =	shalt  }
0x4c: {  	_ =	shalt  }
0x4d: {  	_ =	shalt  }
0x4e: {  	_ =	shalt  }
0x4f: {  	_ =	shalt  }
0x50: {  	_ =	shalt  }
0x51: {  	_ =	shalt  }
0x52: {  	_ =	shalt  }
0x53: {  	_ =	shalt  }
0x54: {  	_ =	shalt  }
0x55: {  	_ =	shalt  }
0x56: {  	_ =	shalt  }
0x57: {  	_ =	shalt  }
0x58: {  	_ =	shalt  }
0x59: {  	_ =	shalt  }
0x5a: {  	_ =	shalt  }
0x5b: {  	_ =	shalt  }
0x5c: {  	_ =	shalt  }
0x5d: {  	_ =	shalt  }
0x5e: {  	_ =	shalt  }
0x5f: {  	_ =	shalt  }
0x60: {  	_ =	shalt  }
0x61: {  	_ =	shalt  }
0x62: {  	_ =	shalt  }
0x63: {  	_ =	shalt  }
0x64: {  	_ =	shalt  }
0x65: {  	_ =	shalt  }
0x66: {  	_ =	shalt  }
0x67: {  	_ =	shalt  }
0x68: {  	_ =	shalt  }
0x69: {  	_ =	shalt  }
0x6a: {  	_ =	shalt  }
0x6b: {  	_ =	shalt  }
0x6c: {  	_ =	shalt  }
0x6d: {  	_ =	shalt  }
0x6e: {  	_ =	shalt  }
0x6f: {  	_ =	shalt  }
0x70: {  	_ =	shalt  }
0x71: {  	_ =	shalt  }
0x72: {  	_ =	shalt  }
0x73: {  	_ =	shalt  }
0x74: {  	_ =	shalt  }
0x75: {  	_ =	shalt  }
0x76: {  	_ =	shalt  }
0x77: {  	_ =	shalt  }
0x78: {  	_ =	shalt  }
0x79: {  	_ =	shalt  }
0x7a: {  	_ =	shalt  }
0x7b: {  	_ =	shalt  }
0x7c: {  	_ =	shalt  }
0x7d: {  	_ =	shalt  }
0x7e: {  	_ =	shalt  }
0x7f: {  	_ =	shalt  }
0x80: {  	_ =	shalt  }
0x81: {  	_ =	shalt  }
0x82: {  	_ =	shalt  }
0x83: {  	_ =	shalt  }
0x84: {  	_ =	shalt  }
0x85: {  	_ =	shalt  }
0x86: {  	_ =	shalt  }
0x87: {  	_ =	shalt  }
.Lfunc_end0:
.L_simem_size_0:
called_computation_lowered:
.L_overlay_start_0:
0x88: {  	s2 =	sld [smem:$0x3FD9]  }
0x89: {  	s3 =	sld [smem:$0x3FFE];
	_ =	sdelay $0x1  }
0x8a: {  	s1 =	srdreg.scid  }
0x8b: {  	s0 =	sand.u32 $0x1, s1  }
0x8c: {  	s17 =	sshll.u32 s0, $0xA;
	s2 =	sadd.s32 s3, s2  }
0x8d: {  	s2 =	sadd.s32 s2, s17  }
0x8e: {  	[smem:$0x3FC1] =	sst s2  }
0x8f: {  	_ = 	snop  }
0x90: {  	(tm) =	ssettm $0x1  }
0x91: {  	s18 =	sld [smem:$0x3FFB];
	_ =	sdelay $0x3  }
0x92: {  	_ =	strace s18  }
0x93: {  	s2 =	sld [smem:$0x3FFC];
	_ =	sdelay $0x3  }
0x94: {  	_ =	strace s2  }
0x95: {  	s2 =	sld [smem:$0x3FFD];
	_ =	sdelay $0x3  }
0x96: {  	_ =	strace s2  }
0x97: {  	_ =	strace $0x8FFFFFFF  }
0x98: {  	s19 =	sld [smem:$0x3FDB];
	_ =	sdelay $0x1  }
0x99: {  	s20 =	simm.s32 $_scs_section_size  }
0x9a: {  	s4 =	simm.s32 $_size__tile_overlayer_lowered;
	s5 =	simm.s32 $_tile_overlayer_lowered  }
0x9b: {  	s6 =	simm.s32 $0x1BFF;
	s21 =	sshll.u32 s5, $0x1;
	s3 =	sadd.s32 s20, s19  }
0x9c: {  	s22 =	simm.s32 $0x0;
	s4 =	sshll.u32 s4, $0x1;
	s5 =	sadd.s32 s21, s3  }
0x9d: {  	[timem:s22], [sflag:s6] =	dma.local [hbm:s5], s4  }
0x9e: {  	_ =	swait.ge [sflag:s6], s4  }
0x9f: {  	s4 =	ssub.s32 $0x0, s4;
	[sflag:s6] =	ssyncset.done $0x0  }
0xa0: {  	[sflag:s6] =	ssyncadd.s32 s4;
	_ =	sdelay $0x1  }
0xa1: {  	s23 =	simm.s32 $0x1B8B  }
0xa2: {  	_ =	swait.ge [sflag:s23], $0x1  }
0xa3: {  	[sflag:s23] =	ssyncset.done $0x0  }
0xa4: {  	[sflag:s23] =	ssyncadd.s32 $0xFFFFFFFF  }
0xa5: {  	s4 =	sld [smem:$0x0]  }
0xa6: {  	s5 =	sand.u32 $0xFFFFFFFE, s1  }
0xa7: {  	p0 =	sne.s32 s1, s5  }
0xa8: {  	s5 =	sshll.u32 @p0 s5, $0xE  }
0xa9: {  	s5 =	sadd.s32 @p0 $0x11B8D, s5;
	s6 =	sshll.u32 @p0 s4, $0x11  }
0xaa: {  	s5 =	sor.u32 @p0 s6, s5  }
0xab: {  	[sflag:s5] =	ssyncadd.remote.s32 @p0 $0x1;
	_ =	sdelay $0x1  }
0xac: {  	s5 =	simm.s32 @p0 $0x1B8D  }
0xad: {  	_ =	swait.eq @p0 [sflag:s5], $0x1  }
0xae: {  	[sflag:s5] =	ssyncadd.s32 @p0 $0xFFFFFFFF  }
0xaf: {  	s6 =	sshll.u32 @!p0 s1, $0xE  }
0xb0: {  	s6 =	sor.u32 @!p0 $0x4000, s6;
	s5 =	simm.s32 @!p0 $0x1B8D  }
0xb1: {  	s4 =	sshll.u32 @!p0 s4, $0x11;
	s6 =	sadd.s32 @!p0 $0x11B8D, s6;
	_ =	swait.eq @!p0 [sflag:s5], $0x1  }
0xb2: {  	s4 =	sor.u32 @!p0 s4, s6;
	[sflag:s5] =	ssyncadd.s32 @!p0 $0xFFFFFFFF  }
0xb3: {  	s25 =	simm.s32 $0x1B8E;
	s24 =	sld [smem:$0x3FFE];
	[sflag:s4] =	ssyncadd.remote.s32 @!p0 $0x1  }
0xb4: {  	s26 =	simm.s32 $execute0_lowered;
	[smem:$0x3FD2] =	sst s25  }
0xb5: {  	s5 =	sshll.u32 s26, $0x1;
	_ =	strace $0x80000049;
	[dreg:$0x1] =	wrdreg $0xFFFFFFFF  }
0xb6: {  	s28 =	simm.s32 $_size_execute0_lowered;
	s3 =	sadd.s32 s3, s5;
	[dreg:$0x0] =	wrdreg $0x0  }
0xb7: {  	s5 =	sshll.u32 s28, $0x1;
	[dreg:$0x2] =	wrdreg s3  }
0xb8: {  	[dreg:$0x3] =	wrdreg s5  }
0xb9: {  	[dreg:$0x4] =	wrdreg $0xC0  }
0xba: {  	_ =	task [dreg:s22], $0x5FFFF  }
0xbb: {  	[dreg:$0x1] =	wrdreg $0xFFFFFFFF  }
0xbc: {  	[dreg:$0x0] =	wrdreg $0x60  }
0xbd: {  	[dreg:$0x2] =	wrdreg s24  }
0xbe: {  	[dreg:$0x3] =	wrdreg $0x9  }
0xbf: {  	_ =	task.clear_ibuf [dreg:s22], $0x4FFFF;
	_ =	strace $0x90000049  }
0xc0: {  	s29 =	simm.s32 $0x9;
	_ =	strace $0x8000004B  }
0xc1: {  	_ =	swait.ge [sflag:s29], $0x1  }
0xc2: {  	[sflag:s29] =	ssyncadd.s32 $0xFFFFFFFF  }
0xc3: {  	_ =	strace $0x9000004B  }
0xc4: {  	_ =	sfence  }
0xc5: {  	s30 =	sld [smem:$0x0];
	_ =	sdelay $0x2  }
0xc6: {  	s31 =	sshll.u32 s1, $0xD;
	s1 =	sshrl.u32 s1, $0x2  }
0xc7: {  	s4 =	sand.u32 $0x4000, s31;
	s1 =	sadd.s32 s1, s30  }
0xc8: {  	s0 =	sor.u32 s4, s0;
	s1 =	sshll.u32 s1, $0x11  }
0xc9: {  	s0 =	sor.u32 s1, s0  }
0xca: {  	s0 =	sadd.s32 $0x8F2B, s0  }
0xcb: {  	[sflag:s0] =	ssyncadd.remote.s32 $0x1  }
0xcc: {  	_ =	sfence.sel $0xFFFF  }
0xcd: {  	[dreg:$0x0] =	wrdreg $0xFFFFFFFF;
	(pc) =	sbr.abs _section_cstart, $3  }
0xce: {  	[dreg:$0x1] =	wrdreg $0xFFFFFFFF  }
0xcf: {  	_ =	task.clear_ibuf [dreg:s22], $0x2FFFF;
	_ =	strace $0x9FFFFFFF  }
0xd0: {  	(tm) =	ssettm $0x7FFFFFFF  }
0xd1: {  	_ =	shalt  }
tec
execute0_lowered:
.L_overlay_start_1:
0x0: {  	(tag) =	ssettag $0x1  }
0x1: {  	s1 =	srdreg.scid;
	s0 =	stileid.u32  }
0x2: {  	s4 =	rddreg [dreg:$0x0];
	s3 =	sand.u32 $0x1, s1;
	s30 =	sshll.u32 s0, $0x1  }
0x3: {  	s2 =	simm.s32 $0x0;
	s8 =	simm.s32 $0x0;
	s5 =	sor.u32 s3, s30  }
0x4: {  	s1 =	rddreg [dreg:$0x1];
	s3 =	ssub.s32 $0x2, s3;
	s6 =	smul.u32 $0xC80, s5  }
0x5: {  	v0 =	vlaneseq.u32;
	[smem:$0x7FF] =	sst s2;
	s5 =	smul.u32 $0xC00, s5;
	s7 =	sshrl.u32 s3, $0x1  }
0x6: {  	v1 =	vimm.s32 $0x0;
	v2 =	vimm.s32 $0x1;
	v0 =	vmul.u32 $0x180, v0;
	_ =	strace $0x8000004A;
	s31 =	ssub.s32 s3, s7;
	s7 =	simm.s32 $0x6400  }
0x7: {  	v6 =	vimm.s32 $0x100;
	v7 =	vimm.s32 $0x10000;
	v8 =	vimm.s32 $0x1000000;
	s6 =	sadd.s32 s6, s4;
	s4 =	sadd.s32 s5, s4;
	s5 =	smax.u32 s31, $0x1  }
0x8: {  	v3 =	vadd.s32 $0x1800, v0;
	v4 =	vadd.s32 $0x3000, v0;
	v5 =	vadd.s32 $0x4800, v0;
	s3 =	sadd.s32 $0x31A00, s6;
	s4 =	sadd.s32 $0x4AA00, s4;
	s6 =	simm.s32 $0x1  }
.LBB2_1:
0x9: {  	s9 =	simm.s32 $0x0;
	s10 =	simm.s32 $0x600  }
.LBB2_2:
0xa: {  	p0 =	sne.s32 s10, $0x17A00;
	[tilespmem:s9+$0x6570] =	vst v1  }
0xb: {  	[tilespmem:s9+$0x6400] =	vst v1  }
0xc: {  	[tilespmem:s9+$0x6410] =	vst v1  }
0xd: {  	[tilespmem:s9+$0x6420] =	vst v1  }
0xe: {  	[tilespmem:s9+$0x6430] =	vst v1  }
0xf: {  	[tilespmem:s9+$0x6440] =	vst v1  }
0x10: {  	[tilespmem:s9+$0x6450] =	vst v1  }
0x11: {  	[tilespmem:s9+$0x6460] =	vst v1  }
0x12: {  	[tilespmem:s9+$0x6470] =	vst v1  }
0x13: {  	[tilespmem:s9+$0x6480] =	vst v1  }
0x14: {  	[tilespmem:s9+$0x6490] =	vst v1  }
0x15: {  	[tilespmem:s9+$0x64A0] =	vst v1  }
0x16: {  	[tilespmem:s9+$0x64B0] =	vst v1  }
0x17: {  	[tilespmem:s9+$0x64C0] =	vst v1  }
0x18: {  	[tilespmem:s9+$0x64D0] =	vst v1  }
0x19: {  	[tilespmem:s9+$0x64E0] =	vst v1  }
0x1a: {  	[tilespmem:s9+$0x64F0] =	vst v1  }
0x1b: {  	[tilespmem:s9+$0x6500] =	vst v1  }
0x1c: {  	[tilespmem:s9+$0x6510] =	vst v1  }
.Ltmp0:
0x1d: {  	[tilespmem:s9+$0x6520] =	vst v1;
	(pc) =	sbr.rel @p0 .LBB2_2-.Ltmp0, $4  }
0x1e: {  	[tilespmem:s9+$0x6530] =	vst v1  }
0x1f: {  	[tilespmem:s9+$0x6540] =	vst v1  }
0x20: {  	[tilespmem:s9+$0x6550] =	vst v1  }
0x21: {  	[tilespmem:s9+$0x6560] =	vst v1;
	s9 =	sshra.s32 s10, $0x2;
	s10 =	sadd.s32 $0x600, s10  }
0x22: {  	[tilespmem:s9+$0x6570] =	vst v1  }
0x23: {  	[tilespmem:s9+$0x6400] =	vst v1  }
0x24: {  	[tilespmem:s9+$0x6410] =	vst v1  }
0x25: {  	[tilespmem:s9+$0x6420] =	vst v1  }
0x26: {  	[tilespmem:s9+$0x6430] =	vst v1  }
0x27: {  	[tilespmem:s9+$0x6440] =	vst v1  }
0x28: {  	[tilespmem:s9+$0x6450] =	vst v1  }
0x29: {  	[tilespmem:s9+$0x6460] =	vst v1  }
0x2a: {  	[tilespmem:s9+$0x6470] =	vst v1  }
0x2b: {  	[tilespmem:s9+$0x6480] =	vst v1  }
0x2c: {  	[tilespmem:s9+$0x6490] =	vst v1  }
0x2d: {  	[tilespmem:s9+$0x64A0] =	vst v1  }
0x2e: {  	[tilespmem:s9+$0x64B0] =	vst v1  }
0x2f: {  	[tilespmem:s9+$0x64C0] =	vst v1  }
0x30: {  	[tilespmem:s9+$0x64D0] =	vst v1  }
0x31: {  	[tilespmem:s9+$0x64E0] =	vst v1  }
0x32: {  	[tilespmem:s9+$0x64F0] =	vst v1  }
0x33: {  	[tilespmem:s9+$0x6500] =	vst v1  }
0x34: {  	[tilespmem:s9+$0x6510] =	vst v1  }
0x35: {  	[tilespmem:s9+$0x6520] =	vst v1  }
0x36: {  	[tilespmem:s9+$0x6530] =	vst v1  }
0x37: {  	[tilespmem:s9+$0x6540] =	vst v1  }
0x38: {  	[tilespmem:s9+$0x6550] =	vst v1  }
0x39: {  	[tilespmem:s9+$0x6560] =	vst v1;
	s9 =	simm.s32 $0x0  }
0x3a: {  	[tilespmem:s9], [sflag:$0x1] =	stream.linear.gather [hbm4b:s3+s9], $0x6400, $0x38;
	[tilespmem:$0xC400] =	vst v63  }
0x3b: {  	_ =	swait.ge [sflag:s6], $0x6400  }
0x3c: {  	[sflag:s6] =	ssyncset.done $0x0  }
0x3d: {  	[sflag:s6] =	ssyncadd.s32 $0xFFFF9C00  }
.LBB2_4:
0x3e: {  	s10 =	sshra.s32 s9, $0x2  }
0x3f: {  	v9 =	vld [tilespmem:s10+$0x0];
	_ =	sdelay $0x4  }
0x40: {  	v10 =	vand.u32 $0x1FF, v9  }
0x41: {  	v9 =	vshra.s32 v9, $0x9;
	v10 =	vadd.s32 v0, v10  }
0x42: {  	v9 =	vadd.s32 v0, v9;
	_ =	sdelay $0x3  }
0x43: {  	[tilespmem:v10+s7+$0x0] =	vst.idx.add.s32.msk $0xffff, v2  }
0x44: {  	[tilespmem:v9+s7+$0x0] =	vst.idx.add.s32.msk $0xffff, v2  }
0x45: {  	v9 =	vld [tilespmem:s10+$0x10];
	_ =	sdelay $0x4  }
0x46: {  	v10 =	vand.u32 $0x1FF, v9  }
0x47: {  	v9 =	vshra.s32 v9, $0x9;
	v10 =	vadd.s32 v3, v10  }
0x48: {  	v9 =	vadd.s32 v3, v9;
	_ =	sdelay $0x3  }
0x49: {  	[tilespmem:v10+s7+$0x0] =	vst.idx.add.s32.msk $0xffff, v2  }
0x4a: {  	[tilespmem:v9+s7+$0x0] =	vst.idx.add.s32.msk $0xffff, v2  }
0x4b: {  	v9 =	vld [tilespmem:s10+$0x20];
	_ =	sdelay $0x4  }
0x4c: {  	v10 =	vand.u32 $0x1FF, v9  }
0x4d: {  	v9 =	vshra.s32 v9, $0x9;
	v10 =	vadd.s32 v4, v10  }
0x4e: {  	v9 =	vadd.s32 v4, v9;
	_ =	sdelay $0x3  }
0x4f: {  	[tilespmem:v10+s7+$0x0] =	vst.idx.add.s32.msk $0xffff, v2  }
0x50: {  	[tilespmem:v9+s7+$0x0] =	vst.idx.add.s32.msk $0xffff, v2  }
0x51: {  	v9 =	vld [tilespmem:s10+$0x30];
	_ =	sdelay $0x4  }
0x52: {  	v10 =	vand.u32 $0x1FF, v9  }
0x53: {  	v9 =	vshra.s32 v9, $0x9;
	v10 =	vadd.s32 v5, v10  }
0x54: {  	v9 =	vadd.s32 v5, v9;
	_ =	sdelay $0x3  }
0x55: {  	[tilespmem:v10+s7+$0x0] =	vst.idx.add.s32.msk $0xffff, v2  }
0x56: {  	[tilespmem:v9+s7+$0x0] =	vst.idx.add.s32.msk $0xffff, v2  }
0x57: {  	v9 =	vld [tilespmem:s10+$0x40];
	_ =	sdelay $0x4  }
0x58: {  	v10 =	vand.u32 $0x1FF, v9  }
0x59: {  	v9 =	vshra.s32 v9, $0x9;
	v10 =	vadd.s32 v0, v10  }
0x5a: {  	v9 =	vadd.s32 v0, v9;
	_ =	sdelay $0x3  }
0x5b: {  	[tilespmem:v10+s7+$0x0] =	vst.idx.add.s32.msk $0xffff, v6  }
0x5c: {  	[tilespmem:v9+s7+$0x0] =	vst.idx.add.s32.msk $0xffff, v6  }
0x5d: {  	v9 =	vld [tilespmem:s10+$0x50];
	_ =	sdelay $0x4  }
0x5e: {  	v10 =	vand.u32 $0x1FF, v9  }
0x5f: {  	v9 =	vshra.s32 v9, $0x9;
	v10 =	vadd.s32 v3, v10  }
0x60: {  	v9 =	vadd.s32 v3, v9;
	_ =	sdelay $0x3  }
0x61: {  	[tilespmem:v10+s7+$0x0] =	vst.idx.add.s32.msk $0xffff, v6  }
0x62: {  	[tilespmem:v9+s7+$0x0] =	vst.idx.add.s32.msk $0xffff, v6  }
0x63: {  	v9 =	vld [tilespmem:s10+$0x60];
	_ =	sdelay $0x4  }
0x64: {  	v10 =	vand.u32 $0x1FF, v9  }
0x65: {  	v9 =	vshra.s32 v9, $0x9;
	v10 =	vadd.s32 v4, v10  }
0x66: {  	v9 =	vadd.s32 v4, v9;
	_ =	sdelay $0x3  }
0x67: {  	[tilespmem:v10+s7+$0x0] =	vst.idx.add.s32.msk $0xffff, v6  }
0x68: {  	[tilespmem:v9+s7+$0x0] =	vst.idx.add.s32.msk $0xffff, v6  }
0x69: {  	v9 =	vld [tilespmem:s10+$0x70];
	_ =	sdelay $0x4  }
0x6a: {  	v10 =	vand.u32 $0x1FF, v9  }
0x6b: {  	v9 =	vshra.s32 v9, $0x9;
	v10 =	vadd.s32 v5, v10  }
0x6c: {  	v9 =	vadd.s32 v5, v9;
	_ =	sdelay $0x3  }
0x6d: {  	[tilespmem:v10+s7+$0x0] =	vst.idx.add.s32.msk $0xffff, v6  }
0x6e: {  	[tilespmem:v9+s7+$0x0] =	vst.idx.add.s32.msk $0xffff, v6  }
0x6f: {  	v9 =	vld [tilespmem:s10+$0x80];
	_ =	sdelay $0x4  }
0x70: {  	v10 =	vand.u32 $0x1FF, v9  }
0x71: {  	v9 =	vshra.s32 v9, $0x9;
	v10 =	vadd.s32 v0, v10  }
0x72: {  	v9 =	vadd.s32 v0, v9;
	_ =	sdelay $0x3  }
0x73: {  	[tilespmem:v10+s7+$0x0] =	vst.idx.add.s32.msk $0xffff, v7  }
0x74: {  	[tilespmem:v9+s7+$0x0] =	vst.idx.add.s32.msk $0xffff, v7  }
0x75: {  	v9 =	vld [tilespmem:s10+$0x90];
	_ =	sdelay $0x4  }
0x76: {  	v10 =	vand.u32 $0x1FF, v9  }
0x77: {  	v9 =	vshra.s32 v9, $0x9;
	v10 =	vadd.s32 v3, v10  }
0x78: {  	v9 =	vadd.s32 v3, v9;
	_ =	sdelay $0x3  }
0x79: {  	[tilespmem:v10+s7+$0x0] =	vst.idx.add.s32.msk $0xffff, v7  }
0x7a: {  	[tilespmem:v9+s7+$0x0] =	vst.idx.add.s32.msk $0xffff, v7  }
0x7b: {  	v9 =	vld [tilespmem:s10+$0xA0];
	_ =	sdelay $0x4  }
0x7c: {  	v10 =	vand.u32 $0x1FF, v9  }
0x7d: {  	v9 =	vshra.s32 v9, $0x9;
	v10 =	vadd.s32 v4, v10  }
0x7e: {  	v9 =	vadd.s32 v4, v9;
	_ =	sdelay $0x3  }
0x7f: {  	[tilespmem:v10+s7+$0x0] =	vst.idx.add.s32.msk $0xffff, v7  }
0x80: {  	[tilespmem:v9+s7+$0x0] =	vst.idx.add.s32.msk $0xffff, v7  }
0x81: {  	v9 =	vld [tilespmem:s10+$0xB0];
	_ =	sdelay $0x4  }
0x82: {  	v10 =	vand.u32 $0x1FF, v9  }
0x83: {  	v9 =	vshra.s32 v9, $0x9;
	v10 =	vadd.s32 v5, v10  }
0x84: {  	v9 =	vadd.s32 v5, v9;
	_ =	sdelay $0x3  }
0x85: {  	[tilespmem:v10+s7+$0x0] =	vst.idx.add.s32.msk $0xffff, v7  }
0x86: {  	[tilespmem:v9+s7+$0x0] =	vst.idx.add.s32.msk $0xffff, v7  }
0x87: {  	v9 =	vld [tilespmem:s10+$0xC0];
	_ =	sdelay $0x4  }
0x88: {  	v10 =	vand.u32 $0x1FF, v9  }
0x89: {  	v9 =	vshra.s32 v9, $0x9;
	v10 =	vadd.s32 v0, v10  }
0x8a: {  	v9 =	vadd.s32 v0, v9;
	_ =	sdelay $0x3  }
0x8b: {  	[tilespmem:v10+s7+$0x0] =	vst.idx.add.s32.msk $0xffff, v8  }
0x8c: {  	[tilespmem:v9+s7+$0x0] =	vst.idx.add.s32.msk $0xffff, v8  }
0x8d: {  	v9 =	vld [tilespmem:s10+$0xD0];
	_ =	sdelay $0x4  }
0x8e: {  	v10 =	vand.u32 $0x1FF, v9  }
0x8f: {  	v9 =	vshra.s32 v9, $0x9;
	v10 =	vadd.s32 v3, v10  }
0x90: {  	v9 =	vadd.s32 v3, v9;
	_ =	sdelay $0x3  }
0x91: {  	[tilespmem:v10+s7+$0x0] =	vst.idx.add.s32.msk $0xffff, v8  }
0x92: {  	[tilespmem:v9+s7+$0x0] =	vst.idx.add.s32.msk $0xffff, v8  }
0x93: {  	v9 =	vld [tilespmem:s10+$0xE0];
	_ =	sdelay $0x4  }
0x94: {  	v10 =	vand.u32 $0x1FF, v9  }
0x95: {  	v9 =	vshra.s32 v9, $0x9;
	v10 =	vadd.s32 v4, v10  }
0x96: {  	v9 =	vadd.s32 v4, v9;
	_ =	sdelay $0x3  }
0x97: {  	[tilespmem:v10+s7+$0x0] =	vst.idx.add.s32.msk $0xffff, v8  }
0x98: {  	[tilespmem:v9+s7+$0x0] =	vst.idx.add.s32.msk $0xffff, v8  }
0x99: {  	v9 =	vld [tilespmem:s10+$0xF0];
	_ =	sdelay $0x4  }
0x9a: {  	v10 =	vand.u32 $0x1FF, v9  }
0x9b: {  	v9 =	vshra.s32 v9, $0x9;
	v10 =	vadd.s32 v5, v10  }
0x9c: {  	p0 =	sne.s32 s9, $0x18C00;
	v9 =	vadd.s32 v5, v9  }
.Ltmp1:
0x9d: {  	_ = 	snop;
	(pc) =	sbr.rel @p0 .LBB2_4-.Ltmp1, $3  }
0x9e: {  	_ =	sdelay $0x1  }
0x9f: {  	[tilespmem:v10+s7+$0x0] =	vst.idx.add.s32.msk $0xffff, v8  }
0xa0: {  	s9 =	sadd.s32 $0x400, s9;
	[tilespmem:v9+s7+$0x0] =	vst.idx.add.s32.msk $0xffff, v8  }
0xa1: {  	s8 =	sadd.s32 $0x1, s8  }
0xa2: {  	p0 =	sne.s32 s8, s5  }
.Ltmp2:
0xa3: {  	_ = 	snop;
	(pc) =	sbr.rel @p0 .LBB2_1-.Ltmp2, $4  }
0xa4: {  	[hbm4b:s4+s2] =	stream.linear.scatter [tilespmem:s7], [sflag:$0x1], $0x6000, $0x38;
	[tilespmem:$0xC400] =	vst v63  }
0xa5: {  	_ =	swait.ge [sflag:s6], $0x6000  }
0xa6: {  	[sflag:s6] =	ssyncset.done $0x0  }
0xa7: {  	[sflag:s6] =	ssyncadd.s32 $0xFFFFA000  }
0xa8: {  	_ =	sfence.sel $0x180000  }
0xa9: {  	[bflag:$0x0] =	sbarrier.arrive $0xFFFF  }
0xaa: {  	p0 =	sne.s32 s0, $0x0;
	_ =	strace $0x9000004A  }
0xab: {  	s0 =	sadd.s32 @!p0 $0x100000, s1;
	[bflag:$0x2] =	sbarrier.arrive $0xFFFF  }
0xac: {  	[sflag:s0] =	ssyncadd.tile.s32 @!p0 $0x1;
	_ =	shalt  }
.Lfunc_end2:
_tile_overlayer_lowered:
.L_overlay_start_2:
0xad: {  	(tag) =	ssettag $0x2  }
0xae: {  	s0 =	rddreg [dreg:$0x0];
	s2 =	stileid.u32  }
0xaf: {  	s1 =	rddreg [dreg:$0x1];
	p0 =	sne.s32 s2, $0x0  }
0xb0: {  	s3 =	rddreg [dreg:$0x2];
	[bflag:$0x3] =	sbarrier.arrive $0xFFFF;
	s2 =	simm.s32 @!p0 $0x1C01  }
0xb1: {  	[timem:s3], [sflag:s2] =	dma.local @!p0 [hbm:s0], s1  }
0xb2: {  	s0 =	simm.s32 @!p0 $0x1  }
0xb3: {  	_ =	swait.ge @!p0 [sflag:s0], s1  }
0xb4: {  	s1 =	ssub.s32 @!p0 $0x0, s1;
	[sflag:s0] =	ssyncset.done @!p0 $0x0  }
0xb5: {  	[sflag:s0] =	ssyncadd.s32 @!p0 s1  }
0xb6: {  	[bflag:$0x3] =	sbarrier.arrive $0xFFFF  }
0xb7: {  	_ =	shalt  }

// kernel: kernel.9.cloned.1.call-start
scs
__scs_entry_jumppad:
0x0: {  	(pc) =	sbr.rel $0x88, $3  }
0x1: {  	(tag) =	ssettag $0x0;
	lr =	simm.s32 $0x1  }
0x2: {  	[smem:$0x3F9A] =	sst lr;
	_ =	strace $0xD0000000  }
0x3: {  	_ = 	snop  }
0x4: {  	_ = 	snop  }
0x5: {  	_ = 	snop  }
0x6: {  	_ = 	snop  }
0x7: {  	_ = 	snop  }
__scs_overlays_trampoline_lowered:
0x8: {  	[smem:$0x3FA9] =	sst s0  }
0x9: {  	[smem:$0x3FAA] =	sst s1  }
0xa: {  	[smem:$0x3FAB] =	sst s2  }
0xb: {  	[smem:$0x3FAC] =	sst s3  }
0xc: {  	[smem:$0x3FAD] =	sst s4  }
0xd: {  	[smem:$0x3FAE] =	sst s5  }
0xe: {  	[smem:$0x3FAF] =	sst s6  }
0xf: {  	[smem:$0x3FB0] =	sst s7  }
0x10: {  	[smem:$0x3FB1] =	sst s8  }
0x11: {  	[smem:$0x3FB2] =	sst s9;
	s0 =	simm.s32 @!p0 $0x0  }
0x12: {  	s1 =	sld [smem:$0x3F98];
	s0 =	simm.s32 @p0 $0x1  }
0x13: {  	[smem:$0x3FB3] =	sst s0;
	s0 =	simm.s32 @!p1 $0x0  }
0x14: {  	s2 =	sld [smem:$0x3F97];
	s0 =	simm.s32 @p1 $0x1  }
0x15: {  	[smem:$0x3FB4] =	sst s0;
	s0 =	simm.s32 @!p2 $0x0  }
0x16: {  	s3 =	sld [smem:$0x3FDB];
	s0 =	simm.s32 @p2 $0x1  }
0x17: {  	s4 =	simm.s32 $0x1BF5;
	[smem:$0x3FB6] =	sst s0  }
0x18: {  	s0 =	sld [smem:$0x3F99];
	_ =	swait.ge [sflag:s4], $0x0  }
0x19: {  	s7 =	sld [smem:$0x3F9A]  }
0x1a: {  	s8 =	sadd.s32 $0xFFFFE003, lr  }
0x1b: {  	s9 =	sadd.s32 $0xFFFFFEF7, lr;
	s5 =	simm.s32 $0xFFFFFFFF;
	p2 =	slt.u32 s8, $0xFFFFF086  }
0x1c: {  	p1 =	slt.u32 s9, $0xF7A;
	s5 =	simm.s32 @!p2 $0x0  }
0x1d: {  	s5 =	simm.s32 @p1 $0x1;
	p0 =	seq.s32 s7, s2  }
0x1e: {  	s7 =	smul.u32 @!p0 $0xF7A, s2;
	p2 =	seq.s32 @!p0 s5, $0x0  }
0x1f: {  	s9 =	smul.u32 $0xF7A, s1;
	s8 =	simm.s32 @!p0 $0x1BF5;
	p2 =	por !p2, p0  }
0x20: {  	[sflag:s8] =	ssyncset.s32 @!p0 $0xFFFFF086;
	s6 =	sadd.s32 @!p0 s3, s7;
	s7 =	simm.s32 @!p0 $0x108  }
0x21: {  	s3 =	sadd.s32 s3, s9;
	s6 =	sadd.s32 @!p0 $0x88, s6;
	s7 =	simm.s32 @p2 $0x1082  }
0x22: {  	[simem:s7], [sflag:s8] =	dma.local @!p0 [hbm:s6], $0xF7A  }
0x23: {  	s9 =	sor.u32 $0xD0000000, s2;
	s6 =	simm.s32 $0x108;
	_ =	swait.ge @!p0 [sflag:s8], $0x0  }
0x24: {  	s3 =	sadd.s32 $0x88, s3;
	s6 =	simm.s32 @!p1 $0x1082;
	[sflag:s4] =	ssyncset.s32 $0xFFFFF086  }
0x25: {  	[simem:s6], [sflag:s4] =	dma.local [hbm:s3], $0xF7A  }
0x26: {  	[smem:$0x3F9A] =	sst s1;
	(tag) =	ssettag s2;
	_ =	strace s9  }
0x27: {  	s1 =	sld [smem:$0x3FAA]  }
0x28: {  	s2 =	sld [smem:$0x3FAB]  }
0x29: {  	s4 =	sld [smem:$0x3FAD]  }
0x2a: {  	p0 =	seq.s32 s5, $0x0;
	s5 =	sld [smem:$0x3FAE]  }
0x2b: {  	s6 =	sld [smem:$0x3FAF]  }
0x2c: {  	s7 =	sld [smem:$0x3FB0]  }
0x2d: {  	s3 =	simm.s32 $0x108;
	s8 =	sld [smem:$0x3FB1]  }
0x2e: {  	s3 =	simm.s32 @!p0 $0x1082;
	s9 =	sld [smem:$0x3FB2]  }
0x2f: {  	lr =	sadd.s32 s0, s3;
	s0 =	sld [smem:$0x3FA9]  }
0x30: {  	s3 =	sld [smem:$0x3FAC]  }
0x31: {  	[smem:$0x3FB5] =	sst s10  }
0x32: {  	s10 =	sld [smem:$0x3FB3];
	_ =	sdelay $0x3  }
0x33: {  	p0 =	seq.s32 s10, $0x1;
	s10 =	sld [smem:$0x3FB5];
	_ =	sdelay $0x3  }
0x34: {  	[smem:$0x3FB5] =	sst s10  }
0x35: {  	s10 =	sld [smem:$0x3FB4];
	_ =	sdelay $0x3  }
0x36: {  	p1 =	seq.s32 s10, $0x1;
	s10 =	sld [smem:$0x3FB5];
	_ =	sdelay $0x3  }
0x37: {  	[smem:$0x3FB5] =	sst s10  }
0x38: {  	s10 =	sld [smem:$0x3FB6]  }
0x39: {  	_ = 	snop;
	(pc) =	sbr.ind lr, $3  }
0x3a: {  	_ = 	snop  }
0x3b: {  	_ = 	snop  }
0x3c: {  	p2 =	seq.s32 s10, $0x1;
	s10 =	sld [smem:$0x3FB5]  }
0x3d: {  	_ =	shalt  }
0x3e: {  	_ =	shalt  }
0x3f: {  	_ =	shalt  }
0x40: {  	_ =	shalt  }
0x41: {  	_ =	shalt  }
0x42: {  	_ =	shalt  }
0x43: {  	_ =	shalt  }
0x44: {  	_ =	shalt  }
0x45: {  	_ =	shalt  }
0x46: {  	_ =	shalt  }
0x47: {  	_ =	shalt  }
0x48: {  	_ =	shalt  }
0x49: {  	_ =	shalt  }
0x4a: {  	_ =	shalt  }
0x4b: {  	_ =	shalt  }
0x4c: {  	_ =	shalt  }
0x4d: {  	_ =	shalt  }
0x4e: {  	_ =	shalt  }
0x4f: {  	_ =	shalt  }
0x50: {  	_ =	shalt  }
0x51: {  	_ =	shalt  }
0x52: {  	_ =	shalt  }
0x53: {  	_ =	shalt  }
0x54: {  	_ =	shalt  }
0x55: {  	_ =	shalt  }
0x56: {  	_ =	shalt  }
0x57: {  	_ =	shalt  }
0x58: {  	_ =	shalt  }
0x59: {  	_ =	shalt  }
0x5a: {  	_ =	shalt  }
0x5b: {  	_ =	shalt  }
0x5c: {  	_ =	shalt  }
0x5d: {  	_ =	shalt  }
0x5e: {  	_ =	shalt  }
0x5f: {  	_ =	shalt  }
0x60: {  	_ =	shalt  }
0x61: {  	_ =	shalt  }
0x62: {  	_ =	shalt  }
0x63: {  	_ =	shalt  }
0x64: {  	_ =	shalt  }
0x65: {  	_ =	shalt  }
0x66: {  	_ =	shalt  }
0x67: {  	_ =	shalt  }
0x68: {  	_ =	shalt  }
0x69: {  	_ =	shalt  }
0x6a: {  	_ =	shalt  }
0x6b: {  	_ =	shalt  }
0x6c: {  	_ =	shalt  }
0x6d: {  	_ =	shalt  }
0x6e: {  	_ =	shalt  }
0x6f: {  	_ =	shalt  }
0x70: {  	_ =	shalt  }
0x71: {  	_ =	shalt  }
0x72: {  	_ =	shalt  }
0x73: {  	_ =	shalt  }
0x74: {  	_ =	shalt  }
0x75: {  	_ =	shalt  }
0x76: {  	_ =	shalt  }
0x77: {  	_ =	shalt  }
0x78: {  	_ =	shalt  }
0x79: {  	_ =	shalt  }
0x7a: {  	_ =	shalt  }
0x7b: {  	_ =	shalt  }
0x7c: {  	_ =	shalt  }
0x7d: {  	_ =	shalt  }
0x7e: {  	_ =	shalt  }
0x7f: {  	_ =	shalt  }
0x80: {  	_ =	shalt  }
0x81: {  	_ =	shalt  }
0x82: {  	_ =	shalt  }
0x83: {  	_ =	shalt  }
0x84: {  	_ =	shalt  }
0x85: {  	_ =	shalt  }
0x86: {  	_ =	shalt  }
0x87: {  	_ =	shalt  }
.Lfunc_end0:
.L_simem_size_0:
called_computation.1_lowered:
.L_overlay_start_0:
0x88: {  	s2 =	sld [smem:$0x3FD9]  }
0x89: {  	s3 =	sld [smem:$0x3FFE];
	_ =	sdelay $0x1  }
0x8a: {  	s1 =	srdreg.scid  }
0x8b: {  	s0 =	sand.u32 $0x1, s1  }
0x8c: {  	s16 =	sshll.u32 s0, $0xA;
	s2 =	sadd.s32 s3, s2  }
0x8d: {  	s2 =	sadd.s32 s2, s16  }
0x8e: {  	[smem:$0x3FC1] =	sst s2  }
0x8f: {  	_ = 	snop  }
0x90: {  	(tm) =	ssettm $0x1  }
0x91: {  	s17 =	sld [smem:$0x3FFB];
	_ =	sdelay $0x3  }
0x92: {  	_ =	strace s17  }
0x93: {  	s2 =	sld [smem:$0x3FFC];
	_ =	sdelay $0x3  }
0x94: {  	_ =	strace s2  }
0x95: {  	s2 =	sld [smem:$0x3FFD];
	_ =	sdelay $0x3  }
0x96: {  	_ =	strace s2  }
0x97: {  	_ =	strace $0x8FFFFFFF  }
0x98: {  	s18 =	sld [smem:$0x3FDB];
	_ =	sdelay $0x1  }
0x99: {  	s19 =	simm.s32 $_scs_section_size  }
0x9a: {  	s4 =	simm.s32 $_size__tile_overlayer_lowered;
	s5 =	simm.s32 $_tile_overlayer_lowered  }
0x9b: {  	s22 =	simm.s32 $0x1BFF;
	s21 =	sshll.u32 s5, $0x1;
	s2 =	sadd.s32 s19, s18  }
0x9c: {  	s6 =	simm.s32 $0x0;
	s20 =	sshll.u32 s4, $0x1;
	s4 =	sadd.s32 s21, s2  }
0x9d: {  	[timem:s6], [sflag:s22] =	dma.local [hbm:s4], s20  }
0x9e: {  	_ =	swait.ge [sflag:s22], s20  }
0x9f: {  	s3 =	ssub.s32 $0x0, s20;
	[sflag:s22] =	ssyncset.done $0x0  }
0xa0: {  	[sflag:s22] =	ssyncadd.s32 s3;
	_ =	sdelay $0x1  }
0xa1: {  	s23 =	simm.s32 $0x1B8B  }
0xa2: {  	_ =	swait.ge [sflag:s23], $0x1  }
0xa3: {  	[sflag:s23] =	ssyncset.done $0x0  }
0xa4: {  	s25 =	simm.s32 $0x1B8E;
	s24 =	sld [smem:$0x3FFE];
	[sflag:s23] =	ssyncadd.s32 $0xFFFFFFFF  }
0xa5: {  	s26 =	simm.s32 $execute0_lowered;
	[smem:$0x3FD2] =	sst s25  }
0xa6: {  	s4 =	sshll.u32 s26, $0x1;
	_ =	strace $0x80000046;
	[dreg:$0x1] =	wrdreg $0xFFFFFFFF  }
0xa7: {  	s28 =	simm.s32 $_size_execute0_lowered;
	s2 =	sadd.s32 s2, s4;
	[dreg:$0x0] =	wrdreg $0x0  }
0xa8: {  	s4 =	sshll.u32 s28, $0x1;
	[dreg:$0x2] =	wrdreg s2  }
0xa9: {  	[dreg:$0x3] =	wrdreg s4  }
0xaa: {  	[dreg:$0x4] =	wrdreg $0xC0  }
0xab: {  	_ =	task [dreg:s6], $0x5FFFF  }
0xac: {  	[dreg:$0x1] =	wrdreg $0xFFFFFFFF  }
0xad: {  	[dreg:$0x0] =	wrdreg $0x60  }
0xae: {  	[dreg:$0x2] =	wrdreg s24  }
0xaf: {  	[dreg:$0x3] =	wrdreg $0xA  }
0xb0: {  	_ =	task.clear_ibuf [dreg:s6], $0x4FFFF;
	_ =	strace $0x90000046  }
0xb1: {  	s29 =	simm.s32 $0xA;
	_ =	strace $0x80000048  }
0xb2: {  	_ =	swait.ge [sflag:s29], $0x1  }
0xb3: {  	[sflag:s29] =	ssyncadd.s32 $0xFFFFFFFF  }
0xb4: {  	_ =	strace $0x90000048  }
0xb5: {  	_ =	sfence  }
0xb6: {  	s30 =	sld [smem:$0x0];
	_ =	sdelay $0x2  }
0xb7: {  	s31 =	sshll.u32 s1, $0xD;
	s1 =	sshrl.u32 s1, $0x2  }
0xb8: {  	s3 =	sand.u32 $0x4000, s31;
	s1 =	sadd.s32 s1, s30  }
0xb9: {  	s0 =	sor.u32 s3, s0;
	s1 =	sshll.u32 s1, $0x11  }
0xba: {  	s0 =	sor.u32 s1, s0  }
0xbb: {  	s0 =	sadd.s32 $0x8F2B, s0  }
0xbc: {  	[sflag:s0] =	ssyncadd.remote.s32 $0x1  }
0xbd: {  	_ =	sfence.sel $0xFFFF  }
0xbe: {  	[dreg:$0x0] =	wrdreg $0xFFFFFFFF;
	(pc) =	sbr.abs _section_cstart, $3  }
0xbf: {  	[dreg:$0x1] =	wrdreg $0xFFFFFFFF  }
0xc0: {  	_ =	task.clear_ibuf [dreg:s6], $0x2FFFF;
	_ =	strace $0x9FFFFFFF  }
0xc1: {  	(tm) =	ssettm $0x7FFFFFFF  }
tec
execute0_lowered:
.L_overlay_start_1:
0x0: {  	(tag) =	ssettag $0x1  }
0x1: {  	s1 =	srdreg.scid;
	s0 =	stileid.u32  }
0x2: {  	s4 =	rddreg [dreg:$0x0];
	s3 =	sand.u32 $0x1, s1;
	s30 =	sshll.u32 s0, $0x1  }
0x3: {  	s2 =	simm.s32 $0x0;
	s8 =	simm.s32 $0x0;
	s5 =	sor.u32 s3, s30  }
0x4: {  	s1 =	rddreg [dreg:$0x1];
	s3 =	ssub.s32 $0x2, s3;
	s6 =	smul.u32 $0xC80, s5  }
0x5: {  	v0 =	vlaneseq.u32;
	[smem:$0x7FF] =	sst s2;
	s5 =	smul.u32 $0xC00, s5;
	s7 =	sshrl.u32 s3, $0x1  }
0x6: {  	v1 =	vimm.s32 $0x0;
	v2 =	vimm.s32 $0x1;
	v0 =	vmul.u32 $0x180, v0;
	_ =	strace $0x80000047;
	s31 =	ssub.s32 s3, s7;
	s7 =	simm.s32 $0x6400  }
0x7: {  	v6 =	vimm.s32 $0x100;
	v7 =	vimm.s32 $0x10000;
	v8 =	vimm.s32 $0x1000000;
	s6 =	sadd.s32 s6, s4;
	s4 =	sadd.s32 s5, s4;
	s5 =	smax.u32 s31, $0x1  }
0x8: {  	v3 =	vadd.s32 $0x1800, v0;
	v4 =	vadd.s32 $0x3000, v0;
	v5 =	vadd.s32 $0x4800, v0;
	s3 =	sadd.s32 $0xA00, s6;
	s4 =	sadd.s32 $0x19A00, s4;
	s6 =	simm.s32 $0x1  }
.LBB2_1:
0x9: {  	s9 =	simm.s32 $0x0;
	s10 =	simm.s32 $0x600  }
.LBB2_2:
0xa: {  	p0 =	sne.s32 s10, $0x17A00;
	[tilespmem:s9+$0x6570] =	vst v1  }
0xb: {  	[tilespmem:s9+$0x6400] =	vst v1  }
0xc: {  	[tilespmem:s9+$0x6410] =	vst v1  }
0xd: {  	[tilespmem:s9+$0x6420] =	vst v1  }
0xe: {  	[tilespmem:s9+$0x6430] =	vst v1  }
0xf: {  	[tilespmem:s9+$0x6440] =	vst v1  }
0x10: {  	[tilespmem:s9+$0x6450] =	vst v1  }
0x11: {  	[tilespmem:s9+$0x6460] =	vst v1  }
0x12: {  	[tilespmem:s9+$0x6470] =	vst v1  }
0x13: {  	[tilespmem:s9+$0x6480] =	vst v1  }
0x14: {  	[tilespmem:s9+$0x6490] =	vst v1  }
0x15: {  	[tilespmem:s9+$0x64A0] =	vst v1  }
0x16: {  	[tilespmem:s9+$0x64B0] =	vst v1  }
0x17: {  	[tilespmem:s9+$0x64C0] =	vst v1  }
0x18: {  	[tilespmem:s9+$0x64D0] =	vst v1  }
0x19: {  	[tilespmem:s9+$0x64E0] =	vst v1  }
0x1a: {  	[tilespmem:s9+$0x64F0] =	vst v1  }
0x1b: {  	[tilespmem:s9+$0x6500] =	vst v1  }
0x1c: {  	[tilespmem:s9+$0x6510] =	vst v1  }
.Ltmp0:
0x1d: {  	[tilespmem:s9+$0x6520] =	vst v1;
	(pc) =	sbr.rel @p0 .LBB2_2-.Ltmp0, $4  }
0x1e: {  	[tilespmem:s9+$0x6530] =	vst v1  }
0x1f: {  	[tilespmem:s9+$0x6540] =	vst v1  }
0x20: {  	[tilespmem:s9+$0x6550] =	vst v1  }
0x21: {  	[tilespmem:s9+$0x6560] =	vst v1;
	s9 =	sshra.s32 s10, $0x2;
	s10 =	sadd.s32 $0x600, s10  }
0x22: {  	[tilespmem:s9+$0x6570] =	vst v1  }
0x23: {  	[tilespmem:s9+$0x6400] =	vst v1  }
0x24: {  	[tilespmem:s9+$0x6410] =	vst v1  }
0x25: {  	[tilespmem:s9+$0x6420] =	vst v1  }
0x26: {  	[tilespmem:s9+$0x6430] =	vst v1  }
0x27: {  	[tilespmem:s9+$0x6440] =	vst v1  }
0x28: {  	[tilespmem:s9+$0x6450] =	vst v1  }
0x29: {  	[tilespmem:s9+$0x6460] =	vst v1  }
0x2a: {  	[tilespmem:s9+$0x6470] =	vst v1  }
0x2b: {  	[tilespmem:s9+$0x6480] =	vst v1  }
0x2c: {  	[tilespmem:s9+$0x6490] =	vst v1  }
0x2d: {  	[tilespmem:s9+$0x64A0] =	vst v1  }
0x2e: {  	[tilespmem:s9+$0x64B0] =	vst v1  }
0x2f: {  	[tilespmem:s9+$0x64C0] =	vst v1  }
0x30: {  	[tilespmem:s9+$0x64D0] =	vst v1  }
0x31: {  	[tilespmem:s9+$0x64E0] =	vst v1  }
0x32: {  	[tilespmem:s9+$0x64F0] =	vst v1  }
0x33: {  	[tilespmem:s9+$0x6500] =	vst v1  }
0x34: {  	[tilespmem:s9+$0x6510] =	vst v1  }
0x35: {  	[tilespmem:s9+$0x6520] =	vst v1  }
0x36: {  	[tilespmem:s9+$0x6530] =	vst v1  }
0x37: {  	[tilespmem:s9+$0x6540] =	vst v1  }
0x38: {  	[tilespmem:s9+$0x6550] =	vst v1  }
0x39: {  	[tilespmem:s9+$0x6560] =	vst v1;
	s9 =	simm.s32 $0x0  }
0x3a: {  	[tilespmem:s9], [sflag:$0x1] =	stream.linear.gather [hbm4b:s3+s9], $0x6400, $0x38;
	[tilespmem:$0xC400] =	vst v63  }
0x3b: {  	_ =	swait.ge [sflag:s6], $0x6400  }
0x3c: {  	[sflag:s6] =	ssyncset.done $0x0  }
0x3d: {  	[sflag:s6] =	ssyncadd.s32 $0xFFFF9C00  }
.LBB2_4:
0x3e: {  	s10 =	sshra.s32 s9, $0x2  }
0x3f: {  	v9 =	vld [tilespmem:s10+$0x0];
	_ =	sdelay $0x4  }
0x40: {  	v10 =	vand.u32 $0x1FF, v9  }
0x41: {  	v9 =	vshra.s32 v9, $0x9;
	v10 =	vadd.s32 v0, v10  }
0x42: {  	v9 =	vadd.s32 v0, v9;
	_ =	sdelay $0x3  }
0x43: {  	[tilespmem:v10+s7+$0x0] =	vst.idx.add.s32.msk $0xffff, v2  }
0x44: {  	[tilespmem:v9+s7+$0x0] =	vst.idx.add.s32.msk $0xffff, v2  }
0x45: {  	v9 =	vld [tilespmem:s10+$0x10];
	_ =	sdelay $0x4  }
0x46: {  	v10 =	vand.u32 $0x1FF, v9  }
0x47: {  	v9 =	vshra.s32 v9, $0x9;
	v10 =	vadd.s32 v3, v10  }
0x48: {  	v9 =	vadd.s32 v3, v9;
	_ =	sdelay $0x3  }
0x49: {  	[tilespmem:v10+s7+$0x0] =	vst.idx.add.s32.msk $0xffff, v2  }
0x4a: {  	[tilespmem:v9+s7+$0x0] =	vst.idx.add.s32.msk $0xffff, v2  }
0x4b: {  	v9 =	vld [tilespmem:s10+$0x20];
	_ =	sdelay $0x4  }
0x4c: {  	v10 =	vand.u32 $0x1FF, v9  }
0x4d: {  	v9 =	vshra.s32 v9, $0x9;
	v10 =	vadd.s32 v4, v10  }
0x4e: {  	v9 =	vadd.s32 v4, v9;
	_ =	sdelay $0x3  }
0x4f: {  	[tilespmem:v10+s7+$0x0] =	vst.idx.add.s32.msk $0xffff, v2  }
0x50: {  	[tilespmem:v9+s7+$0x0] =	vst.idx.add.s32.msk $0xffff, v2  }
0x51: {  	v9 =	vld [tilespmem:s10+$0x30];
	_ =	sdelay $0x4  }
0x52: {  	v10 =	vand.u32 $0x1FF, v9  }
0x53: {  	v9 =	vshra.s32 v9, $0x9;
	v10 =	vadd.s32 v5, v10  }
0x54: {  	v9 =	vadd.s32 v5, v9;
	_ =	sdelay $0x3  }
0x55: {  	[tilespmem:v10+s7+$0x0] =	vst.idx.add.s32.msk $0xffff, v2  }
0x56: {  	[tilespmem:v9+s7+$0x0] =	vst.idx.add.s32.msk $0xffff, v2  }
0x57: {  	v9 =	vld [tilespmem:s10+$0x40];
	_ =	sdelay $0x4  }
0x58: {  	v10 =	vand.u32 $0x1FF, v9  }
0x59: {  	v9 =	vshra.s32 v9, $0x9;
	v10 =	vadd.s32 v0, v10  }
0x5a: {  	v9 =	vadd.s32 v0, v9;
	_ =	sdelay $0x3  }
0x5b: {  	[tilespmem:v10+s7+$0x0] =	vst.idx.add.s32.msk $0xffff, v6  }
0x5c: {  	[tilespmem:v9+s7+$0x0] =	vst.idx.add.s32.msk $0xffff, v6  }
0x5d: {  	v9 =	vld [tilespmem:s10+$0x50];
	_ =	sdelay $0x4  }
0x5e: {  	v10 =	vand.u32 $0x1FF, v9  }
0x5f: {  	v9 =	vshra.s32 v9, $0x9;
	v10 =	vadd.s32 v3, v10  }
0x60: {  	v9 =	vadd.s32 v3, v9;
	_ =	sdelay $0x3  }
0x61: {  	[tilespmem:v10+s7+$0x0] =	vst.idx.add.s32.msk $0xffff, v6  }
0x62: {  	[tilespmem:v9+s7+$0x0] =	vst.idx.add.s32.msk $0xffff, v6  }
0x63: {  	v9 =	vld [tilespmem:s10+$0x60];
	_ =	sdelay $0x4  }
0x64: {  	v10 =	vand.u32 $0x1FF, v9  }
0x65: {  	v9 =	vshra.s32 v9, $0x9;
	v10 =	vadd.s32 v4, v10  }
0x66: {  	v9 =	vadd.s32 v4, v9;
	_ =	sdelay $0x3  }
0x67: {  	[tilespmem:v10+s7+$0x0] =	vst.idx.add.s32.msk $0xffff, v6  }
0x68: {  	[tilespmem:v9+s7+$0x0] =	vst.idx.add.s32.msk $0xffff, v6  }
0x69: {  	v9 =	vld [tilespmem:s10+$0x70];
	_ =	sdelay $0x4  }
0x6a: {  	v10 =	vand.u32 $0x1FF, v9  }
0x6b: {  	v9 =	vshra.s32 v9, $0x9;
	v10 =	vadd.s32 v5, v10  }
0x6c: {  	v9 =	vadd.s32 v5, v9;
	_ =	sdelay $0x3  }
0x6d: {  	[tilespmem:v10+s7+$0x0] =	vst.idx.add.s32.msk $0xffff, v6  }
0x6e: {  	[tilespmem:v9+s7+$0x0] =	vst.idx.add.s32.msk $0xffff, v6  }
0x6f: {  	v9 =	vld [tilespmem:s10+$0x80];
	_ =	sdelay $0x4  }
0x70: {  	v10 =	vand.u32 $0x1FF, v9  }
0x71: {  	v9 =	vshra.s32 v9, $0x9;
	v10 =	vadd.s32 v0, v10  }
0x72: {  	v9 =	vadd.s32 v0, v9;
	_ =	sdelay $0x3  }
0x73: {  	[tilespmem:v10+s7+$0x0] =	vst.idx.add.s32.msk $0xffff, v7  }
0x74: {  	[tilespmem:v9+s7+$0x0] =	vst.idx.add.s32.msk $0xffff, v7  }
0x75: {  	v9 =	vld [tilespmem:s10+$0x90];
	_ =	sdelay $0x4  }
0x76: {  	v10 =	vand.u32 $0x1FF, v9  }
0x77: {  	v9 =	vshra.s32 v9, $0x9;
	v10 =	vadd.s32 v3, v10  }
0x78: {  	v9 =	vadd.s32 v3, v9;
	_ =	sdelay $0x3  }
0x79: {  	[tilespmem:v10+s7+$0x0] =	vst.idx.add.s32.msk $0xffff, v7  }
0x7a: {  	[tilespmem:v9+s7+$0x0] =	vst.idx.add.s32.msk $0xffff, v7  }
0x7b: {  	v9 =	vld [tilespmem:s10+$0xA0];
	_ =	sdelay $0x4  }
0x7c: {  	v10 =	vand.u32 $0x1FF, v9  }
0x7d: {  	v9 =	vshra.s32 v9, $0x9;
	v10 =	vadd.s32 v4, v10  }
0x7e: {  	v9 =	vadd.s32 v4, v9;
	_ =	sdelay $0x3  }
0x7f: {  	[tilespmem:v10+s7+$0x0] =	vst.idx.add.s32.msk $0xffff, v7  }
0x80: {  	[tilespmem:v9+s7+$0x0] =	vst.idx.add.s32.msk $0xffff, v7  }
0x81: {  	v9 =	vld [tilespmem:s10+$0xB0];
	_ =	sdelay $0x4  }
0x82: {  	v10 =	vand.u32 $0x1FF, v9  }
0x83: {  	v9 =	vshra.s32 v9, $0x9;
	v10 =	vadd.s32 v5, v10  }
0x84: {  	v9 =	vadd.s32 v5, v9;
	_ =	sdelay $0x3  }
0x85: {  	[tilespmem:v10+s7+$0x0] =	vst.idx.add.s32.msk $0xffff, v7  }
0x86: {  	[tilespmem:v9+s7+$0x0] =	vst.idx.add.s32.msk $0xffff, v7  }
0x87: {  	v9 =	vld [tilespmem:s10+$0xC0];
	_ =	sdelay $0x4  }
0x88: {  	v10 =	vand.u32 $0x1FF, v9  }
0x89: {  	v9 =	vshra.s32 v9, $0x9;
	v10 =	vadd.s32 v0, v10  }
0x8a: {  	v9 =	vadd.s32 v0, v9;
	_ =	sdelay $0x3  }
0x8b: {  	[tilespmem:v10+s7+$0x0] =	vst.idx.add.s32.msk $0xffff, v8  }
0x8c: {  	[tilespmem:v9+s7+$0x0] =	vst.idx.add.s32.msk $0xffff, v8  }
0x8d: {  	v9 =	vld [tilespmem:s10+$0xD0];
	_ =	sdelay $0x4  }
0x8e: {  	v10 =	vand.u32 $0x1FF, v9  }
0x8f: {  	v9 =	vshra.s32 v9, $0x9;
	v10 =	vadd.s32 v3, v10  }
0x90: {  	v9 =	vadd.s32 v3, v9;
	_ =	sdelay $0x3  }
0x91: {  	[tilespmem:v10+s7+$0x0] =	vst.idx.add.s32.msk $0xffff, v8  }
0x92: {  	[tilespmem:v9+s7+$0x0] =	vst.idx.add.s32.msk $0xffff, v8  }
0x93: {  	v9 =	vld [tilespmem:s10+$0xE0];
	_ =	sdelay $0x4  }
0x94: {  	v10 =	vand.u32 $0x1FF, v9  }
0x95: {  	v9 =	vshra.s32 v9, $0x9;
	v10 =	vadd.s32 v4, v10  }
0x96: {  	v9 =	vadd.s32 v4, v9;
	_ =	sdelay $0x3  }
0x97: {  	[tilespmem:v10+s7+$0x0] =	vst.idx.add.s32.msk $0xffff, v8  }
0x98: {  	[tilespmem:v9+s7+$0x0] =	vst.idx.add.s32.msk $0xffff, v8  }
0x99: {  	v9 =	vld [tilespmem:s10+$0xF0];
	_ =	sdelay $0x4  }
0x9a: {  	v10 =	vand.u32 $0x1FF, v9  }
0x9b: {  	v9 =	vshra.s32 v9, $0x9;
	v10 =	vadd.s32 v5, v10  }
0x9c: {  	p0 =	sne.s32 s9, $0x18C00;
	v9 =	vadd.s32 v5, v9  }
.Ltmp1:
0x9d: {  	_ = 	snop;
	(pc) =	sbr.rel @p0 .LBB2_4-.Ltmp1, $3  }
0x9e: {  	_ =	sdelay $0x1  }
0x9f: {  	[tilespmem:v10+s7+$0x0] =	vst.idx.add.s32.msk $0xffff, v8  }
0xa0: {  	s9 =	sadd.s32 $0x400, s9;
	[tilespmem:v9+s7+$0x0] =	vst.idx.add.s32.msk $0xffff, v8  }
0xa1: {  	s8 =	sadd.s32 $0x1, s8  }
0xa2: {  	p0 =	sne.s32 s8, s5  }
.Ltmp2:
0xa3: {  	_ = 	snop;
	(pc) =	sbr.rel @p0 .LBB2_1-.Ltmp2, $4  }
0xa4: {  	[hbm4b:s4+s2] =	stream.linear.scatter [tilespmem:s7], [sflag:$0x1], $0x6000, $0x38;
	[tilespmem:$0xC400] =	vst v63  }
0xa5: {  	_ =	swait.ge [sflag:s6], $0x6000  }
0xa6: {  	[sflag:s6] =	ssyncset.done $0x0  }
0xa7: {  	[sflag:s6] =	ssyncadd.s32 $0xFFFFA000  }
0xa8: {  	_ =	sfence.sel $0x180000  }
0xa9: {  	[bflag:$0x0] =	sbarrier.arrive $0xFFFF  }
0xaa: {  	p0 =	sne.s32 s0, $0x0;
	_ =	strace $0x90000047  }
0xab: {  	s0 =	sadd.s32 @!p0 $0x100000, s1;
	[bflag:$0x2] =	sbarrier.arrive $0xFFFF  }
0xac: {  	[sflag:s0] =	ssyncadd.tile.s32 @!p0 $0x1;
	_ =	shalt  }
.Lfunc_end2:
_tile_overlayer_lowered:
.L_overlay_start_2:
0xad: {  	(tag) =	ssettag $0x2  }
0xae: {  	s0 =	rddreg [dreg:$0x0];
	s2 =	stileid.u32  }
0xaf: {  	s1 =	rddreg [dreg:$0x1];
	p0 =	sne.s32 s2, $0x0  }
0xb0: {  	s3 =	rddreg [dreg:$0x2];
	[bflag:$0x3] =	sbarrier.arrive $0xFFFF;
	s2 =	simm.s32 @!p0 $0x1C01  }
0xb1: {  	[timem:s3], [sflag:s2] =	dma.local @!p0 [hbm:s0], s1  }
0xb2: {  	s0 =	simm.s32 @!p0 $0x1  }
0xb3: {  	_ =	swait.ge @!p0 [sflag:s0], s1  }
0xb4: {  	s1 =	ssub.s32 @!p0 $0x0, s1;
	[sflag:s0] =	ssyncset.done @!p0 $0x0  }
0xb5: {  	[sflag:s0] =	ssyncadd.s32 @!p0 s1  }
0xb6: {  	[bflag:$0x3] =	sbarrier.arrive $0xFFFF  }
0xb7: {  	_ =	shalt  }

</sc_bundles>
